<compile_context>
chip_gen: v7x
topology: tpu7x:2x2x1
jax: 0.10.2.dev20260603
libtpu: 0.0.44.dev20260713+nightly
codegen_flags: <defaults>
</compile_context>

<pallas_src>
import functools
import math

import jax
import jax.numpy as jnp
from jax import lax
from jax.experimental import pallas as pl
from jax.experimental.pallas import tpu as pltpu
from jax.experimental.pallas import tpu_sc as plsc

_N = 20000
_M = 2000
_B = 4
_TN = 1024
_NPAD = 20480
_NT = _NPAD // _TN
_MPAD = 2048
_R2 = (2.5 * math.log(3.0)) ** 2 - 1e-12


def _tc_kernel(px_ref, py_ref, pc_ref, conf_ref, tx_ref, ty_ref, tc_ref,
               midx_ref, rowsc_ref, osum_ref, bd2_ref, bidx_ref):
    i = pl.program_id(1)

    pxr = px_ref[0, 0]
    pyr = py_ref[0, 0]
    pcr = pc_ref[0, 0]
    txc = tx_ref[0]
    tyc = ty_ref[0]
    tcc = tc_ref[0]

    dx = txc - pxr
    dy = tyc - pyr
    d2 = dx * dx + dy * dy

    rm = jnp.min(d2, axis=0, keepdims=True)
    s = jnp.sqrt(rm + 1e-12) * (1.0 / 2.5)
    t = jnp.exp(-s)
    rowsc_ref[0, 0] = 2.0 * t / (1.0 + t)

    cf = conf_ref[0, 0]
    lane1 = jax.lax.broadcasted_iota(jnp.int32, (1, _TN), 1)
    real = (i * _TN + lane1) < _N
    sp = jnp.maximum(cf, 0.0) + jnp.log1p(jnp.exp(-jnp.abs(cf)))
    part = jnp.sum(jnp.where(real, sp, 0.0))

    d2m = jnp.where(tcc == pcr, d2, jnp.inf)
    lane = jax.lax.broadcasted_iota(jnp.int32, (_MPAD, _TN), 1)
    ip = (jax.lax.bitcast_convert_type(d2m, jnp.int32)
          & jnp.int32(-1024)) | lane
    m = jnp.min(ip, axis=1, keepdims=True)
    lidx = m & 1023
    tmin = jax.lax.bitcast_convert_type(m & jnp.int32(-1024), jnp.float32)
    gidx = i * _TN + lidx

    @pl.when(i == 0)
    def _():
        bd2_ref[...] = tmin
        bidx_ref[...] = gidx
        osum_ref[...] = jnp.full((1, 8, 128), part, dtype=jnp.float32)

    @pl.when(i > 0)
    def _():
        upd = tmin < bd2_ref[...]
        bd2_ref[...] = jnp.where(upd, tmin, bd2_ref[...])
        bidx_ref[...] = jnp.where(upd, gidx, bidx_ref[...])
        osum_ref[...] = osum_ref[...] + part

    @pl.when(i == _NT - 1)
    def _():
        has = bd2_ref[...] <= _R2
        midx_ref[0] = jnp.where(has, bidx_ref[...], _NPAD - 1)


def _tc_stage(px, py, pc, cf, tx, ty, tc):
    grid = (_B, _NT)
    return pl.pallas_call(
        _tc_kernel,
        grid=grid,
        in_specs=[
            pl.BlockSpec((1, 1, 1, _TN), lambda b, i: (b, i, 0, 0)),
            pl.BlockSpec((1, 1, 1, _TN), lambda b, i: (b, i, 0, 0)),
            pl.BlockSpec((1, 1, 1, _TN), lambda b, i: (b, i, 0, 0)),
            pl.BlockSpec((1, 1, 1, _TN), lambda b, i: (b, i, 0, 0)),
            pl.BlockSpec((1, _MPAD, 1), lambda b, i: (b, 0, 0)),
            pl.BlockSpec((1, _MPAD, 1), lambda b, i: (b, 0, 0)),
            pl.BlockSpec((1, _MPAD, 1), lambda b, i: (b, 0, 0)),
        ],
        out_specs=[
            pl.BlockSpec((1, _MPAD, 1), lambda b, i: (b, 0, 0)),
            pl.BlockSpec((1, 1, 1, _TN), lambda b, i: (b, i, 0, 0)),
            pl.BlockSpec((1, 8, 128), lambda b, i: (b, 0, 0)),
        ],
        out_shape=[
            jax.ShapeDtypeStruct((_B, _MPAD, 1), jnp.int32),
            jax.ShapeDtypeStruct((_B, _NT, 1, _TN), jnp.float32),
            jax.ShapeDtypeStruct((_B, 8, 128), jnp.float32),
        ],
        scratch_shapes=[
            pltpu.VMEM((_MPAD, 1), jnp.float32),
            pltpu.VMEM((_MPAD, 1), jnp.int32),
        ],
        compiler_params=pltpu.CompilerParams(
            dimension_semantics=("arbitrary", "arbitrary")),
    )(px, py, pc, cf, tx, ty, tc)


_NW = 32
_TPW = (2 * _MPAD * 2) // _NW


def _sc_kernel(idxs_hbm, idxg_hbm, mval_hbm, conf_hbm, rowsc_hbm, out_hbm,
               idxs_v, idxg_v, m_v, w_v, cf_v, rs_v, out_v, win_sh, sem):
    c = lax.axis_index("c")
    s = lax.axis_index("s")
    r = c * 16 + s

    pltpu.sync_copy(idxs_hbm.at[r], idxs_v)
    pltpu.sync_copy(idxg_hbm.at[r], idxg_v)
    pltpu.sync_copy(mval_hbm.at[r], m_v)

    for j in range(2):
        pltpu.async_copy(m_v.at[j], win_sh.at[idxs_v.at[j]], sem).wait()
    plsc.subcore_barrier()
    for j in range(2):
        pltpu.async_copy(win_sh.at[idxs_v.at[j]], w_v.at[j], sem).wait()
        pltpu.async_copy(conf_hbm.at[idxg_v.at[j]], cf_v.at[j], sem).wait()
        pltpu.async_copy(rowsc_hbm.at[idxg_v.at[j]], rs_v.at[j], sem).wait()

    acc_c = jnp.zeros((16,), jnp.float32)
    acc_r = jnp.zeros((16,), jnp.float32)
    for j in range(2):
        for k in range(8):
            sl = pl.ds(k * 16, 16)
            keep = w_v[j, sl] == m_v[j, sl]
            acc_c = acc_c + jnp.where(keep, cf_v[j, sl], 0.0)
            acc_r = acc_r + jnp.where(keep, rs_v[j, sl], 0.0)

    out_v[0, :] = acc_c
    out_v[1, :] = acc_r
    pltpu.sync_copy(out_v, out_hbm.at[r])


@functools.lru_cache(maxsize=1)
def _sc_stage_fn():
    return functools.partial(
        pl.kernel,
        mesh=plsc.VectorSubcoreMesh(core_axis_name="c", subcore_axis_name="s"),
        out_type=jax.ShapeDtypeStruct((_NW, 2, 16), jnp.float32),
        scratch_types=[
            pltpu.VMEM((2, 128), jnp.int32),
            pltpu.VMEM((2, 128), jnp.int32),
            pltpu.VMEM((2, 128), jnp.int32),
            pltpu.VMEM((2, 128), jnp.int32),
            pltpu.VMEM((2, 128), jnp.float32),
            pltpu.VMEM((2, 128), jnp.float32),
            pltpu.VMEM((2, 16), jnp.float32),
            pltpu.VMEM_SHARED((2 * _NPAD,), jnp.int32),
            pltpu.SemaphoreType.DMA,
        ],
    )(_sc_kernel)


def _sc_stage(idx_sc, idx_g, mval, conf_flat, rowsc_flat):
    return _sc_stage_fn()(idx_sc, idx_g, mval, conf_flat, rowsc_flat)


def kernel(pred, gt):
    B = pred.shape[0]
    padn = _NPAD - _N

    def padp(x, val):
        x = jnp.pad(x, ((0, 0), (0, padn)), constant_values=val)
        return x.reshape(B, _NT, 1, _TN)

    pc = padp(pred[..., 0], -1.0)
    px = padp(pred[..., 1], 1e9)
    py = padp(pred[..., 2], 1e9)
    cf = padp(pred[..., 3], 0.0)

    padm = _MPAD - _M

    def padt(x, val):
        return jnp.pad(x, ((0, 0), (0, padm)), constant_values=val)[..., None]

    tc = padt(gt[..., 0], -2.0)
    tx = padt(gt[..., 1], 2e9)
    ty = padt(gt[..., 2], 2e9)

    midx, rowsc, osum = _tc_stage(px, py, pc, cf, tx, ty, tc)

    m2 = jnp.minimum(midx[:, :, 0], _NPAD - 1)
    barr = jnp.arange(B, dtype=jnp.int32)[:, None]
    idx_sc = ((barr % 2) * _NPAD + m2).reshape(_NW, 2, 128)
    idx_g = (barr * _NPAD + m2).reshape(_NW, 2, 128)
    mval = jnp.tile(jnp.arange(2 * _MPAD, dtype=jnp.int32), (2,))
    mval = mval.reshape(_NW, 2, 128)
    conf_flat = cf.reshape(B * _NPAD)
    rowsc_flat = rowsc.reshape(B * _NPAD)

    out = _sc_stage(idx_sc, idx_g, mval, conf_flat, rowsc_flat)

    o = out.reshape(2, 2, 8, 2, 16)
    mconf = o[:, :, :, 0, :].sum(axis=(2, 3)).reshape(B)
    mrow = o[:, :, :, 1, :].sum(axis=(2, 3)).reshape(B)
    obj_b = (osum[:, 0, 0] - mconf) / _N
    reg_b = 1.0 - mrow / _N
    return (jnp.mean(obj_b), jnp.mean(reg_b))

# --- scband reference (transcript-rebuilt; emitter-appended) ---
"""Pipeline reference for scband-dot-detection-loss-2310692405464 (READ-ONLY COPY).

The authoritative reference and input builder live on the scoring server;
editing this copy changes nothing except your own understanding.
"""

import jax, jax.numpy as jnp
import numpy as np

CORRECT_THRESHOLD = 0.5


def radial_score(centers, targets, radius, sigmoid=True):
    # pairwise euclidean distance [N_pred, M_tgt]
    d2 = jnp.sum((centers[:, None, :] - targets[None, :, :]) ** 2, axis=-1)
    d = jnp.sqrt(d2 + 1e-12)
    s = d / radius
    if sigmoid:
        return 2.0 * jax.nn.sigmoid(-s)
    return jnp.clip(1.0 - s, 0.0, 1.0)


def _bce_with_logits(x, y):
    # numerically-stable BCEWithLogitsLoss (mean reduction)
    return jnp.mean(y * jax.nn.softplus(-x) + (1.0 - y) * jax.nn.softplus(x))


def _per_item(input_b, target_b):
    target_classes = target_b[:, 0]
    targets = target_b[:, 1:3]
    classes = input_b[:, 0]
    centers = input_b[:, 1:3]
    confs = input_b[:, 3]

    scores = radial_score(centers, targets, 2.5, sigmoid=True)  # [N, M]
    correct_class = classes[:, None] == target_classes[None, :]  # [N, M]
    valid = (scores >= CORRECT_THRESHOLD) & correct_class

    # greedy unique matching (detached, as in torch: matches are .detach()ed)
    sg = jax.lax.stop_gradient(scores)
    masked = jnp.where(valid, sg, -jnp.inf)
    best_pred = jnp.argmax(masked, axis=0)          # best pred per target [M]
    best_score = jnp.max(masked, axis=0)            # [M]
    tgt_has = jnp.isfinite(best_score)
    hits = jnp.zeros(scores.shape[0], dtype=jnp.float32).at[best_pred].max(tgt_has.astype(jnp.float32))
    correct = hits > 0.0                             # [N] preds that got matched

    # reg[correct] = scores[correct].max(1)[0]  (grad flows through scores here)
    reg = jnp.where(correct, jnp.max(scores, axis=1), 0.0)

    obj = _bce_with_logits(confs, correct.astype(jnp.float32))
    regl = jnp.mean(1.0 - reg)
    return obj, regl


def reference(pred, gt):
    B = pred.shape[0]
    obj_loss = jnp.float32(0.0)
    reg_loss = jnp.float32(0.0)
    for b in range(B):
        o, r = _per_item(pred[b], gt[b])
        obj_loss = obj_loss + o
        reg_loss = reg_loss + r
    obj_loss = obj_loss / B
    reg_loss = reg_loss / B
    return (obj_loss, reg_loss)


def setup_inputs(seed: int = 0) -> dict:
    key = jax.random.key(seed)
    k1, k2 = jax.random.split(key)
    pred = jax.random.uniform(k1, (4, 20000, 4), dtype=jnp.float32)
    gt = jax.random.uniform(k2, (4, 2000, 3), dtype=jnp.float32)
    # class ids in {0..4}
    pred = pred.at[:, :, 0].set(jnp.floor(pred[:, :, 0] * 5.0))
    gt = gt.at[:, :, 0].set(jnp.floor(gt[:, :, 0] * 5.0))
    # spread centers over a 64x64 field so matching is non-degenerate
    pred = pred.at[:, :, 1:3].set(pred[:, :, 1:3] * 64.0)
    gt = gt.at[:, :, 1:3].set(gt[:, :, 1:3] * 64.0)
    # conf column as logits
    pred = pred.at[:, :, 3].set((pred[:, :, 3] - 0.5) * 4.0)
    return {"pred": pred, "gt": gt}

if __name__ == "__main__":
    import jax
    _d = setup_inputs()
    print(jax.jit(kernel)(*tuple(_d.values())))

</pallas_src>

<mosaic_0001>
#map = affine_map<(d0, d1) -> (0, 0, 0)>
#map1 = affine_map<(d0, d1) -> (0)>
module attributes {stable_mosaic.version = 14 : i64} {
  func.func @_sc_kernel(%arg0: i32, %arg1: i32, %arg2: memref<32x2x128xi32, #tpu.memory_space<hbm>>, %arg3: memref<32x2x128xi32, #tpu.memory_space<hbm>>, %arg4: memref<32x2x128xi32, #tpu.memory_space<hbm>>, %arg5: memref<81920xf32, #tpu.memory_space<hbm>>, %arg6: memref<81920xf32, #tpu.memory_space<hbm>>, %arg7: memref<32x2x16xf32, #tpu.memory_space<hbm>>, %arg8: memref<2x128xi32, #tpu.memory_space<vmem>>, %arg9: memref<2x128xi32, #tpu.memory_space<vmem>>, %arg10: memref<2x128xi32, #tpu.memory_space<vmem>>, %arg11: memref<2x128xi32, #tpu.memory_space<vmem>>, %arg12: memref<2x128xf32, #tpu.memory_space<vmem>>, %arg13: memref<2x128xf32, #tpu.memory_space<vmem>>, %arg14: memref<2x16xf32, #tpu.memory_space<vmem>>, %arg15: memref<40960xi32, #tpu.memory_space<vmem_shared>>, %arg16: memref<!tpu.dma_semaphore, #tpu.memory_space<semaphore_mem>>) attributes {dimension_semantics = [#tpu.dimension_semantics<core_parallel>, #tpu.dimension_semantics<subcore_parallel>], iteration_bounds = array<i64: 2, 16>, scalar_prefetch = 0 : i64, scratch_operands = 9 : i64, tpu.core_type = #tpu.core_type<sc_vector_subcore>, window_params = [{transform_indices = #map}, {transform_indices = #map}, {transform_indices = #map}, {transform_indices = #map1}, {transform_indices = #map1}, {transform_indices = #map}]} {
    %mul3A = arith.constant 16 : i32
    %mul3A_0 = arith.muli %arg0, %mul3A : i32
    %add3A = arith.addi %mul3A_0, %arg1 : i32
    "tpu.region"() ({
      %run_scoped3A = tpu.sem_alloc : memref<!tpu.dma_semaphore, #tpu.memory_space<semaphore_mem>>
      %dma_start3A_633 = arith.constant 0 : i32
      %dma_start3A_634 = arith.constant 0 : i32
      %dma_start3A_635 = tpu.memref_slice %arg2[%add3A, %dma_start3A_633, %dma_start3A_634] : memref<32x2x128xi32, #tpu.memory_space<hbm>> -> memref<1x2x128xi32, #tpu.memory_space<hbm>>
      %dma_start3A_636 = tpu.memref_squeeze %dma_start3A_635 : memref<1x2x128xi32, #tpu.memory_space<hbm>> -> memref<2x128xi32, #tpu.memory_space<hbm>>
      %dma_start3A_637 = arith.constant 0 : i32
      %dma_start3A_638 = arith.constant 0 : i32
      %dma_start3A_639 = tpu.memref_slice %arg2[%add3A, %dma_start3A_637, %dma_start3A_638] : memref<32x2x128xi32, #tpu.memory_space<hbm>> -> memref<1x2x128xi32, #tpu.memory_space<hbm>>
      %dma_start3A_640 = tpu.memref_squeeze %dma_start3A_639 : memref<1x2x128xi32, #tpu.memory_space<hbm>> -> memref<2x128xi32, #tpu.memory_space<hbm>>
      tpu.enqueue_dma source(%dma_start3A_640 : memref<2x128xi32, #tpu.memory_space<hbm>>) target(%arg8 : memref<2x128xi32, #tpu.memory_space<vmem>>) target_semaphore(%run_scoped3A : memref<!tpu.dma_semaphore, #tpu.memory_space<semaphore_mem>>)
      %dma_wait3A_641 = arith.constant 0 : i32
      %dma_wait3A_642 = arith.constant 0 : i32
      %dma_wait3A_643 = tpu.memref_slice %arg2[%add3A, %dma_wait3A_641, %dma_wait3A_642] : memref<32x2x128xi32, #tpu.memory_space<hbm>> -> memref<1x2x128xi32, #tpu.memory_space<hbm>>
      %dma_wait3A_644 = tpu.memref_squeeze %dma_wait3A_643 : memref<1x2x128xi32, #tpu.memory_space<hbm>> -> memref<2x128xi32, #tpu.memory_space<hbm>>
      %dma_wait3A_645 = arith.constant 0 : i32
      %dma_wait3A_646 = arith.constant 0 : i32
      %dma_wait3A_647 = tpu.memref_slice %arg2[%add3A, %dma_wait3A_645, %dma_wait3A_646] : memref<32x2x128xi32, #tpu.memory_space<hbm>> -> memref<1x2x128xi32, #tpu.memory_space<hbm>>
      %dma_wait3A_648 = tpu.memref_squeeze %dma_wait3A_647 : memref<1x2x128xi32, #tpu.memory_space<hbm>> -> memref<2x128xi32, #tpu.memory_space<hbm>>
      tpu.wait_dma2 semaphore(%run_scoped3A : memref<!tpu.dma_semaphore, #tpu.memory_space<semaphore_mem>>) src(%dma_wait3A_648 : memref<2x128xi32, #tpu.memory_space<hbm>>) dst(%arg8 : memref<2x128xi32, #tpu.memory_space<vmem>>)
      tpu.yield
    }) : () -> ()
    "tpu.region"() ({
      %run_scoped3A = tpu.sem_alloc : memref<!tpu.dma_semaphore, #tpu.memory_space<semaphore_mem>>
      %dma_start3A_633 = arith.constant 0 : i32
      %dma_start3A_634 = arith.constant 0 : i32
      %dma_start3A_635 = tpu.memref_slice %arg3[%add3A, %dma_start3A_633, %dma_start3A_634] : memref<32x2x128xi32, #tpu.memory_space<hbm>> -> memref<1x2x128xi32, #tpu.memory_space<hbm>>
      %dma_start3A_636 = tpu.memref_squeeze %dma_start3A_635 : memref<1x2x128xi32, #tpu.memory_space<hbm>> -> memref<2x128xi32, #tpu.memory_space<hbm>>
      %dma_start3A_637 = arith.constant 0 : i32
      %dma_start3A_638 = arith.constant 0 : i32
      %dma_start3A_639 = tpu.memref_slice %arg3[%add3A, %dma_start3A_637, %dma_start3A_638] : memref<32x2x128xi32, #tpu.memory_space<hbm>> -> memref<1x2x128xi32, #tpu.memory_space<hbm>>
      %dma_start3A_640 = tpu.memref_squeeze %dma_start3A_639 : memref<1x2x128xi32, #tpu.memory_space<hbm>> -> memref<2x128xi32, #tpu.memory_space<hbm>>
      tpu.enqueue_dma source(%dma_start3A_640 : memref<2x128xi32, #tpu.memory_space<hbm>>) target(%arg9 : memref<2x128xi32, #tpu.memory_space<vmem>>) target_semaphore(%run_scoped3A : memref<!tpu.dma_semaphore, #tpu.memory_space<semaphore_mem>>)
      %dma_wait3A_641 = arith.constant 0 : i32
      %dma_wait3A_642 = arith.constant 0 : i32
      %dma_wait3A_643 = tpu.memref_slice %arg3[%add3A, %dma_wait3A_641, %dma_wait3A_642] : memref<32x2x128xi32, #tpu.memory_space<hbm>> -> memref<1x2x128xi32, #tpu.memory_space<hbm>>
      %dma_wait3A_644 = tpu.memref_squeeze %dma_wait3A_643 : memref<1x2x128xi32, #tpu.memory_space<hbm>> -> memref<2x128xi32, #tpu.memory_space<hbm>>
      %dma_wait3A_645 = arith.constant 0 : i32
      %dma_wait3A_646 = arith.constant 0 : i32
      %dma_wait3A_647 = tpu.memref_slice %arg3[%add3A, %dma_wait3A_645, %dma_wait3A_646] : memref<32x2x128xi32, #tpu.memory_space<hbm>> -> memref<1x2x128xi32, #tpu.memory_space<hbm>>
      %dma_wait3A_648 = tpu.memref_squeeze %dma_wait3A_647 : memref<1x2x128xi32, #tpu.memory_space<hbm>> -> memref<2x128xi32, #tpu.memory_space<hbm>>
      tpu.wait_dma2 semaphore(%run_scoped3A : memref<!tpu.dma_semaphore, #tpu.memory_space<semaphore_mem>>) src(%dma_wait3A_648 : memref<2x128xi32, #tpu.memory_space<hbm>>) dst(%arg9 : memref<2x128xi32, #tpu.memory_space<vmem>>)
      tpu.yield
    }) : () -> ()
    "tpu.region"() ({
      %run_scoped3A = tpu.sem_alloc : memref<!tpu.dma_semaphore, #tpu.memory_space<semaphore_mem>>
      %dma_start3A_633 = arith.constant 0 : i32
      %dma_start3A_634 = arith.constant 0 : i32
      %dma_start3A_635 = tpu.memref_slice %arg4[%add3A, %dma_start3A_633, %dma_start3A_634] : memref<32x2x128xi32, #tpu.memory_space<hbm>> -> memref<1x2x128xi32, #tpu.memory_space<hbm>>
      %dma_start3A_636 = tpu.memref_squeeze %dma_start3A_635 : memref<1x2x128xi32, #tpu.memory_space<hbm>> -> memref<2x128xi32, #tpu.memory_space<hbm>>
      %dma_start3A_637 = arith.constant 0 : i32
      %dma_start3A_638 = arith.constant 0 : i32
      %dma_start3A_639 = tpu.memref_slice %arg4[%add3A, %dma_start3A_637, %dma_start3A_638] : memref<32x2x128xi32, #tpu.memory_space<hbm>> -> memref<1x2x128xi32, #tpu.memory_space<hbm>>
      %dma_start3A_640 = tpu.memref_squeeze %dma_start3A_639 : memref<1x2x128xi32, #tpu.memory_space<hbm>> -> memref<2x128xi32, #tpu.memory_space<hbm>>
      tpu.enqueue_dma source(%dma_start3A_640 : memref<2x128xi32, #tpu.memory_space<hbm>>) target(%arg10 : memref<2x128xi32, #tpu.memory_space<vmem>>) target_semaphore(%run_scoped3A : memref<!tpu.dma_semaphore, #tpu.memory_space<semaphore_mem>>)
      %dma_wait3A_641 = arith.constant 0 : i32
      %dma_wait3A_642 = arith.constant 0 : i32
      %dma_wait3A_643 = tpu.memref_slice %arg4[%add3A, %dma_wait3A_641, %dma_wait3A_642] : memref<32x2x128xi32, #tpu.memory_space<hbm>> -> memref<1x2x128xi32, #tpu.memory_space<hbm>>
      %dma_wait3A_644 = tpu.memref_squeeze %dma_wait3A_643 : memref<1x2x128xi32, #tpu.memory_space<hbm>> -> memref<2x128xi32, #tpu.memory_space<hbm>>
      %dma_wait3A_645 = arith.constant 0 : i32
      %dma_wait3A_646 = arith.constant 0 : i32
      %dma_wait3A_647 = tpu.memref_slice %arg4[%add3A, %dma_wait3A_645, %dma_wait3A_646] : memref<32x2x128xi32, #tpu.memory_space<hbm>> -> memref<1x2x128xi32, #tpu.memory_space<hbm>>
      %dma_wait3A_648 = tpu.memref_squeeze %dma_wait3A_647 : memref<1x2x128xi32, #tpu.memory_space<hbm>> -> memref<2x128xi32, #tpu.memory_space<hbm>>
      tpu.wait_dma2 semaphore(%run_scoped3A : memref<!tpu.dma_semaphore, #tpu.memory_space<semaphore_mem>>) src(%dma_wait3A_648 : memref<2x128xi32, #tpu.memory_space<hbm>>) dst(%arg10 : memref<2x128xi32, #tpu.memory_space<vmem>>)
      tpu.yield
    }) : () -> ()
    %dma_start3A = arith.constant 0 : i32
    %dma_start3A_1 = arith.constant 0 : i32
    %dma_start3A_2 = arith.constant 0 : i32
    %dma_start3A_3 = tpu.memref_slice %arg10[%dma_start3A, %dma_start3A_2] : memref<2x128xi32, #tpu.memory_space<vmem>> -> memref<1x128xi32, #tpu.memory_space<vmem>>
    %dma_start3A_4 = tpu.memref_squeeze %dma_start3A_3 : memref<1x128xi32, #tpu.memory_space<vmem>> -> memref<128xi32, #tpu.memory_space<vmem>>
    %dma_start3A_5 = arith.constant 0 : i32
    %dma_start3A_6 = tpu.memref_slice %arg8[%dma_start3A_1, %dma_start3A_5] : memref<2x128xi32, #tpu.memory_space<vmem>> -> memref<1x128xi32, #tpu.memory_space<vmem>>
    %dma_start3A_7 = tpu.memref_squeeze %dma_start3A_6 : memref<1x128xi32, #tpu.memory_space<vmem>> -> memref<128xi32, #tpu.memory_space<vmem>>
    %dma_start3A_8 = arith.constant 0 : i32
    %dma_start3A_9 = tpu.memref_slice %arg15[%dma_start3A_8] : memref<40960xi32, #tpu.memory_space<vmem_shared>> -> memref<40960xi32, #tpu.memory_space<vmem_shared>>
    tpu.enqueue_indirect_dma source(%dma_start3A_4 : memref<128xi32, #tpu.memory_space<vmem>>) target(%dma_start3A_9 : memref<40960xi32, #tpu.memory_space<vmem_shared>>) offsets(%dma_start3A_7 : memref<128xi32, #tpu.memory_space<vmem>>) semaphore(%arg16 : memref<!tpu.dma_semaphore, #tpu.memory_space<semaphore_mem>>)
    %dma_wait3A = arith.constant 0 : i32
    %dma_wait3A_10 = arith.constant 0 : i32
    %dma_wait3A_11 = arith.constant 0 : i32
    %dma_wait3A_12 = tpu.memref_slice %arg10[%dma_wait3A, %dma_wait3A_11] : memref<2x128xi32, #tpu.memory_space<vmem>> -> memref<1x128xi32, #tpu.memory_space<vmem>>
    %dma_wait3A_13 = tpu.memref_squeeze %dma_wait3A_12 : memref<1x128xi32, #tpu.memory_space<vmem>> -> memref<128xi32, #tpu.memory_space<vmem>>
    %dma_wait3A_14 = arith.constant 0 : i32
    %dma_wait3A_15 = tpu.memref_slice %arg8[%dma_wait3A_10, %dma_wait3A_14] : memref<2x128xi32, #tpu.memory_space<vmem>> -> memref<1x128xi32, #tpu.memory_space<vmem>>
    %dma_wait3A_16 = tpu.memref_squeeze %dma_wait3A_15 : memref<1x128xi32, #tpu.memory_space<vmem>> -> memref<128xi32, #tpu.memory_space<vmem>>
    %dma_wait3A_17 = arith.constant 0 : i32
    %dma_wait3A_18 = tpu.memref_slice %arg15[%dma_wait3A_17] : memref<40960xi32, #tpu.memory_space<vmem_shared>> -> memref<40960xi32, #tpu.memory_space<vmem_shared>>
    tpu.wait_indirect_dma semaphore(%arg16 : memref<!tpu.dma_semaphore, #tpu.memory_space<semaphore_mem>>) src(%dma_wait3A_13 : memref<128xi32, #tpu.memory_space<vmem>>) dst(%dma_wait3A_18 : memref<40960xi32, #tpu.memory_space<vmem_shared>>)
    %dma_start3A_19 = arith.constant 1 : i32
    %dma_start3A_20 = arith.constant 1 : i32
    %dma_start3A_21 = arith.constant 0 : i32
    %dma_start3A_22 = tpu.memref_slice %arg10[%dma_start3A_19, %dma_start3A_21] : memref<2x128xi32, #tpu.memory_space<vmem>> -> memref<1x128xi32, #tpu.memory_space<vmem>>
    %dma_start3A_23 = tpu.memref_squeeze %dma_start3A_22 : memref<1x128xi32, #tpu.memory_space<vmem>> -> memref<128xi32, #tpu.memory_space<vmem>>
    %dma_start3A_24 = arith.constant 0 : i32
    %dma_start3A_25 = tpu.memref_slice %arg8[%dma_start3A_20, %dma_start3A_24] : memref<2x128xi32, #tpu.memory_space<vmem>> -> memref<1x128xi32, #tpu.memory_space<vmem>>
    %dma_start3A_26 = tpu.memref_squeeze %dma_start3A_25 : memref<1x128xi32, #tpu.memory_space<vmem>> -> memref<128xi32, #tpu.memory_space<vmem>>
    %dma_start3A_27 = arith.constant 0 : i32
    %dma_start3A_28 = tpu.memref_slice %arg15[%dma_start3A_27] : memref<40960xi32, #tpu.memory_space<vmem_shared>> -> memref<40960xi32, #tpu.memory_space<vmem_shared>>
    tpu.enqueue_indirect_dma source(%dma_start3A_23 : memref<128xi32, #tpu.memory_space<vmem>>) target(%dma_start3A_28 : memref<40960xi32, #tpu.memory_space<vmem_shared>>) offsets(%dma_start3A_26 : memref<128xi32, #tpu.memory_space<vmem>>) semaphore(%arg16 : memref<!tpu.dma_semaphore, #tpu.memory_space<semaphore_mem>>)
    %dma_wait3A_29 = arith.constant 1 : i32
    %dma_wait3A_30 = arith.constant 1 : i32
    %dma_wait3A_31 = arith.constant 0 : i32
    %dma_wait3A_32 = tpu.memref_slice %arg10[%dma_wait3A_29, %dma_wait3A_31] : memref<2x128xi32, #tpu.memory_space<vmem>> -> memref<1x128xi32, #tpu.memory_space<vmem>>
    %dma_wait3A_33 = tpu.memref_squeeze %dma_wait3A_32 : memref<1x128xi32, #tpu.memory_space<vmem>> -> memref<128xi32, #tpu.memory_space<vmem>>
    %dma_wait3A_34 = arith.constant 0 : i32
    %dma_wait3A_35 = tpu.memref_slice %arg8[%dma_wait3A_30, %dma_wait3A_34] : memref<2x128xi32, #tpu.memory_space<vmem>> -> memref<1x128xi32, #tpu.memory_space<vmem>>
    %dma_wait3A_36 = tpu.memref_squeeze %dma_wait3A_35 : memref<1x128xi32, #tpu.memory_space<vmem>> -> memref<128xi32, #tpu.memory_space<vmem>>
    %dma_wait3A_37 = arith.constant 0 : i32
    %dma_wait3A_38 = tpu.memref_slice %arg15[%dma_wait3A_37] : memref<40960xi32, #tpu.memory_space<vmem_shared>> -> memref<40960xi32, #tpu.memory_space<vmem_shared>>
    tpu.wait_indirect_dma semaphore(%arg16 : memref<!tpu.dma_semaphore, #tpu.memory_space<semaphore_mem>>) src(%dma_wait3A_33 : memref<128xi32, #tpu.memory_space<vmem>>) dst(%dma_wait3A_38 : memref<40960xi32, #tpu.memory_space<vmem_shared>>)
    %barrier3A = arith.constant 0 : index
    tpu.barrier barrier_id(%barrier3A)
    %dma_start3A_39 = arith.constant 0 : i32
    %dma_start3A_40 = arith.constant 0 : i32
    %dma_start3A_41 = arith.constant 0 : i32
    %dma_start3A_42 = tpu.memref_slice %arg11[%dma_start3A_40, %dma_start3A_41] : memref<2x128xi32, #tpu.memory_space<vmem>> -> memref<1x128xi32, #tpu.memory_space<vmem>>
    %dma_start3A_43 = tpu.memref_squeeze %dma_start3A_42 : memref<1x128xi32, #tpu.memory_space<vmem>> -> memref<128xi32, #tpu.memory_space<vmem>>
    %dma_start3A_44 = arith.constant 0 : i32
    %dma_start3A_45 = tpu.memref_slice %arg8[%dma_start3A_39, %dma_start3A_44] : memref<2x128xi32, #tpu.memory_space<vmem>> -> memref<1x128xi32, #tpu.memory_space<vmem>>
    %dma_start3A_46 = tpu.memref_squeeze %dma_start3A_45 : memref<1x128xi32, #tpu.memory_space<vmem>> -> memref<128xi32, #tpu.memory_space<vmem>>
    %dma_start3A_47 = arith.constant 0 : i32
    %dma_start3A_48 = tpu.memref_slice %arg15[%dma_start3A_47] : memref<40960xi32, #tpu.memory_space<vmem_shared>> -> memref<40960xi32, #tpu.memory_space<vmem_shared>>
    tpu.enqueue_indirect_dma source(%dma_start3A_48 : memref<40960xi32, #tpu.memory_space<vmem_shared>>) target(%dma_start3A_43 : memref<128xi32, #tpu.memory_space<vmem>>) offsets(%dma_start3A_46 : memref<128xi32, #tpu.memory_space<vmem>>) semaphore(%arg16 : memref<!tpu.dma_semaphore, #tpu.memory_space<semaphore_mem>>)
    %dma_wait3A_49 = arith.constant 0 : i32
    %dma_wait3A_50 = arith.constant 0 : i32
    %dma_wait3A_51 = arith.constant 0 : i32
    %dma_wait3A_52 = tpu.memref_slice %arg11[%dma_wait3A_50, %dma_wait3A_51] : memref<2x128xi32, #tpu.memory_space<vmem>> -> memref<1x128xi32, #tpu.memory_space<vmem>>
    %dma_wait3A_53 = tpu.memref_squeeze %dma_wait3A_52 : memref<1x128xi32, #tpu.memory_space<vmem>> -> memref<128xi32, #tpu.memory_space<vmem>>
    %dma_wait3A_54 = arith.constant 0 : i32
    %dma_wait3A_55 = tpu.memref_slice %arg8[%dma_wait3A_49, %dma_wait3A_54] : memref<2x128xi32, #tpu.memory_space<vmem>> -> memref<1x128xi32, #tpu.memory_space<vmem>>
    %dma_wait3A_56 = tpu.memref_squeeze %dma_wait3A_55 : memref<1x128xi32, #tpu.memory_space<vmem>> -> memref<128xi32, #tpu.memory_space<vmem>>
    %dma_wait3A_57 = arith.constant 0 : i32
    %dma_wait3A_58 = tpu.memref_slice %arg15[%dma_wait3A_57] : memref<40960xi32, #tpu.memory_space<vmem_shared>> -> memref<40960xi32, #tpu.memory_space<vmem_shared>>
    tpu.wait_indirect_dma semaphore(%arg16 : memref<!tpu.dma_semaphore, #tpu.memory_space<semaphore_mem>>) src(%dma_wait3A_58 : memref<40960xi32, #tpu.memory_space<vmem_shared>>) dst(%dma_wait3A_53 : memref<128xi32, #tpu.memory_space<vmem>>)
    %dma_start3A_59 = arith.constant 0 : i32
    %dma_start3A_60 = arith.constant 0 : i32
    %dma_start3A_61 = arith.constant 0 : i32
    %dma_start3A_62 = tpu.memref_slice %arg12[%dma_start3A_60, %dma_start3A_61] : memref<2x128xf32, #tpu.memory_space<vmem>> -> memref<1x128xf32, #tpu.memory_space<vmem>>
    %dma_start3A_63 = tpu.memref_squeeze %dma_start3A_62 : memref<1x128xf32, #tpu.memory_space<vmem>> -> memref<128xf32, #tpu.memory_space<vmem>>
    %dma_start3A_64 = arith.constant 0 : i32
    %dma_start3A_65 = tpu.memref_slice %arg9[%dma_start3A_59, %dma_start3A_64] : memref<2x128xi32, #tpu.memory_space<vmem>> -> memref<1x128xi32, #tpu.memory_space<vmem>>
    %dma_start3A_66 = tpu.memref_squeeze %dma_start3A_65 : memref<1x128xi32, #tpu.memory_space<vmem>> -> memref<128xi32, #tpu.memory_space<vmem>>
    %dma_start3A_67 = arith.constant 0 : i32
    %dma_start3A_68 = tpu.memref_slice %arg5[%dma_start3A_67] : memref<81920xf32, #tpu.memory_space<hbm>> -> memref<81920xf32, #tpu.memory_space<hbm>>
    tpu.enqueue_indirect_dma source(%dma_start3A_68 : memref<81920xf32, #tpu.memory_space<hbm>>) target(%dma_start3A_63 : memref<128xf32, #tpu.memory_space<vmem>>) offsets(%dma_start3A_66 : memref<128xi32, #tpu.memory_space<vmem>>) semaphore(%arg16 : memref<!tpu.dma_semaphore, #tpu.memory_space<semaphore_mem>>)
    %dma_wait3A_69 = arith.constant 0 : i32
    %dma_wait3A_70 = arith.constant 0 : i32
    %dma_wait3A_71 = arith.constant 0 : i32
    %dma_wait3A_72 = tpu.memref_slice %arg12[%dma_wait3A_70, %dma_wait3A_71] : memref<2x128xf32, #tpu.memory_space<vmem>> -> memref<1x128xf32, #tpu.memory_space<vmem>>
    %dma_wait3A_73 = tpu.memref_squeeze %dma_wait3A_72 : memref<1x128xf32, #tpu.memory_space<vmem>> -> memref<128xf32, #tpu.memory_space<vmem>>
    %dma_wait3A_74 = arith.constant 0 : i32
    %dma_wait3A_75 = tpu.memref_slice %arg9[%dma_wait3A_69, %dma_wait3A_74] : memref<2x128xi32, #tpu.memory_space<vmem>> -> memref<1x128xi32, #tpu.memory_space<vmem>>
    %dma_wait3A_76 = tpu.memref_squeeze %dma_wait3A_75 : memref<1x128xi32, #tpu.memory_space<vmem>> -> memref<128xi32, #tpu.memory_space<vmem>>
    %dma_wait3A_77 = arith.constant 0 : i32
    %dma_wait3A_78 = tpu.memref_slice %arg5[%dma_wait3A_77] : memref<81920xf32, #tpu.memory_space<hbm>> -> memref<81920xf32, #tpu.memory_space<hbm>>
    tpu.wait_indirect_dma semaphore(%arg16 : memref<!tpu.dma_semaphore, #tpu.memory_space<semaphore_mem>>) src(%dma_wait3A_78 : memref<81920xf32, #tpu.memory_space<hbm>>) dst(%dma_wait3A_73 : memref<128xf32, #tpu.memory_space<vmem>>)
    %dma_start3A_79 = arith.constant 0 : i32
    %dma_start3A_80 = arith.constant 0 : i32
    %dma_start3A_81 = arith.constant 0 : i32
    %dma_start3A_82 = tpu.memref_slice %arg13[%dma_start3A_80, %dma_start3A_81] : memref<2x128xf32, #tpu.memory_space<vmem>> -> memref<1x128xf32, #tpu.memory_space<vmem>>
    %dma_start3A_83 = tpu.memref_squeeze %dma_start3A_82 : memref<1x128xf32, #tpu.memory_space<vmem>> -> memref<128xf32, #tpu.memory_space<vmem>>
    %dma_start3A_84 = arith.constant 0 : i32
    %dma_start3A_85 = tpu.memref_slice %arg9[%dma_start3A_79, %dma_start3A_84] : memref<2x128xi32, #tpu.memory_space<vmem>> -> memref<1x128xi32, #tpu.memory_space<vmem>>
    %dma_start3A_86 = tpu.memref_squeeze %dma_start3A_85 : memref<1x128xi32, #tpu.memory_space<vmem>> -> memref<128xi32, #tpu.memory_space<vmem>>
    %dma_start3A_87 = arith.constant 0 : i32
    %dma_start3A_88 = tpu.memref_slice %arg6[%dma_start3A_87] : memref<81920xf32, #tpu.memory_space<hbm>> -> memref<81920xf32, #tpu.memory_space<hbm>>
    tpu.enqueue_indirect_dma source(%dma_start3A_88 : memref<81920xf32, #tpu.memory_space<hbm>>) target(%dma_start3A_83 : memref<128xf32, #tpu.memory_space<vmem>>) offsets(%dma_start3A_86 : memref<128xi32, #tpu.memory_space<vmem>>) semaphore(%arg16 : memref<!tpu.dma_semaphore, #tpu.memory_space<semaphore_mem>>)
    %dma_wait3A_89 = arith.constant 0 : i32
    %dma_wait3A_90 = arith.constant 0 : i32
    %dma_wait3A_91 = arith.constant 0 : i32
    %dma_wait3A_92 = tpu.memref_slice %arg13[%dma_wait3A_90, %dma_wait3A_91] : memref<2x128xf32, #tpu.memory_space<vmem>> -> memref<1x128xf32, #tpu.memory_space<vmem>>
    %dma_wait3A_93 = tpu.memref_squeeze %dma_wait3A_92 : memref<1x128xf32, #tpu.memory_space<vmem>> -> memref<128xf32, #tpu.memory_space<vmem>>
    %dma_wait3A_94 = arith.constant 0 : i32
    %dma_wait3A_95 = tpu.memref_slice %arg9[%dma_wait3A_89, %dma_wait3A_94] : memref<2x128xi32, #tpu.memory_space<vmem>> -> memref<1x128xi32, #tpu.memory_space<vmem>>
    %dma_wait3A_96 = tpu.memref_squeeze %dma_wait3A_95 : memref<1x128xi32, #tpu.memory_space<vmem>> -> memref<128xi32, #tpu.memory_space<vmem>>
    %dma_wait3A_97 = arith.constant 0 : i32
    %dma_wait3A_98 = tpu.memref_slice %arg6[%dma_wait3A_97] : memref<81920xf32, #tpu.memory_space<hbm>> -> memref<81920xf32, #tpu.memory_space<hbm>>
    tpu.wait_indirect_dma semaphore(%arg16 : memref<!tpu.dma_semaphore, #tpu.memory_space<semaphore_mem>>) src(%dma_wait3A_98 : memref<81920xf32, #tpu.memory_space<hbm>>) dst(%dma_wait3A_93 : memref<128xf32, #tpu.memory_space<vmem>>)
    %dma_start3A_99 = arith.constant 1 : i32
    %dma_start3A_100 = arith.constant 1 : i32
    %dma_start3A_101 = arith.constant 0 : i32
    %dma_start3A_102 = tpu.memref_slice %arg11[%dma_start3A_100, %dma_start3A_101] : memref<2x128xi32, #tpu.memory_space<vmem>> -> memref<1x128xi32, #tpu.memory_space<vmem>>
    %dma_start3A_103 = tpu.memref_squeeze %dma_start3A_102 : memref<1x128xi32, #tpu.memory_space<vmem>> -> memref<128xi32, #tpu.memory_space<vmem>>
    %dma_start3A_104 = arith.constant 0 : i32
    %dma_start3A_105 = tpu.memref_slice %arg8[%dma_start3A_99, %dma_start3A_104] : memref<2x128xi32, #tpu.memory_space<vmem>> -> memref<1x128xi32, #tpu.memory_space<vmem>>
    %dma_start3A_106 = tpu.memref_squeeze %dma_start3A_105 : memref<1x128xi32, #tpu.memory_space<vmem>> -> memref<128xi32, #tpu.memory_space<vmem>>
    %dma_start3A_107 = arith.constant 0 : i32
    %dma_start3A_108 = tpu.memref_slice %arg15[%dma_start3A_107] : memref<40960xi32, #tpu.memory_space<vmem_shared>> -> memref<40960xi32, #tpu.memory_space<vmem_shared>>
    tpu.enqueue_indirect_dma source(%dma_start3A_108 : memref<40960xi32, #tpu.memory_space<vmem_shared>>) target(%dma_start3A_103 : memref<128xi32, #tpu.memory_space<vmem>>) offsets(%dma_start3A_106 : memref<128xi32, #tpu.memory_space<vmem>>) semaphore(%arg16 : memref<!tpu.dma_semaphore, #tpu.memory_space<semaphore_mem>>)
    %dma_wait3A_109 = arith.constant 1 : i32
    %dma_wait3A_110 = arith.constant 1 : i32
    %dma_wait3A_111 = arith.constant 0 : i32
    %dma_wait3A_112 = tpu.memref_slice %arg11[%dma_wait3A_110, %dma_wait3A_111] : memref<2x128xi32, #tpu.memory_space<vmem>> -> memref<1x128xi32, #tpu.memory_space<vmem>>
    %dma_wait3A_113 = tpu.memref_squeeze %dma_wait3A_112 : memref<1x128xi32, #tpu.memory_space<vmem>> -> memref<128xi32, #tpu.memory_space<vmem>>
    %dma_wait3A_114 = arith.constant 0 : i32
    %dma_wait3A_115 = tpu.memref_slice %arg8[%dma_wait3A_109, %dma_wait3A_114] : memref<2x128xi32, #tpu.memory_space<vmem>> -> memref<1x128xi32, #tpu.memory_space<vmem>>
    %dma_wait3A_116 = tpu.memref_squeeze %dma_wait3A_115 : memref<1x128xi32, #tpu.memory_space<vmem>> -> memref<128xi32, #tpu.memory_space<vmem>>
    %dma_wait3A_117 = arith.constant 0 : i32
    %dma_wait3A_118 = tpu.memref_slice %arg15[%dma_wait3A_117] : memref<40960xi32, #tpu.memory_space<vmem_shared>> -> memref<40960xi32, #tpu.memory_space<vmem_shared>>
    tpu.wait_indirect_dma semaphore(%arg16 : memref<!tpu.dma_semaphore, #tpu.memory_space<semaphore_mem>>) src(%dma_wait3A_118 : memref<40960xi32, #tpu.memory_space<vmem_shared>>) dst(%dma_wait3A_113 : memref<128xi32, #tpu.memory_space<vmem>>)
    %dma_start3A_119 = arith.constant 1 : i32
    %dma_start3A_120 = arith.constant 1 : i32
    %dma_start3A_121 = arith.constant 0 : i32
    %dma_start3A_122 = tpu.memref_slice %arg12[%dma_start3A_120, %dma_start3A_121] : memref<2x128xf32, #tpu.memory_space<vmem>> -> memref<1x128xf32, #tpu.memory_space<vmem>>
    %dma_start3A_123 = tpu.memref_squeeze %dma_start3A_122 : memref<1x128xf32, #tpu.memory_space<vmem>> -> memref<128xf32, #tpu.memory_space<vmem>>
    %dma_start3A_124 = arith.constant 0 : i32
    %dma_start3A_125 = tpu.memref_slice %arg9[%dma_start3A_119, %dma_start3A_124] : memref<2x128xi32, #tpu.memory_space<vmem>> -> memref<1x128xi32, #tpu.memory_space<vmem>>
    %dma_start3A_126 = tpu.memref_squeeze %dma_start3A_125 : memref<1x128xi32, #tpu.memory_space<vmem>> -> memref<128xi32, #tpu.memory_space<vmem>>
    %dma_start3A_127 = arith.constant 0 : i32
    %dma_start3A_128 = tpu.memref_slice %arg5[%dma_start3A_127] : memref<81920xf32, #tpu.memory_space<hbm>> -> memref<81920xf32, #tpu.memory_space<hbm>>
    tpu.enqueue_indirect_dma source(%dma_start3A_128 : memref<81920xf32, #tpu.memory_space<hbm>>) target(%dma_start3A_123 : memref<128xf32, #tpu.memory_space<vmem>>) offsets(%dma_start3A_126 : memref<128xi32, #tpu.memory_space<vmem>>) semaphore(%arg16 : memref<!tpu.dma_semaphore, #tpu.memory_space<semaphore_mem>>)
    %dma_wait3A_129 = arith.constant 1 : i32
    %dma_wait3A_130 = arith.constant 1 : i32
    %dma_wait3A_131 = arith.constant 0 : i32
    %dma_wait3A_132 = tpu.memref_slice %arg12[%dma_wait3A_130, %dma_wait3A_131] : memref<2x128xf32, #tpu.memory_space<vmem>> -> memref<1x128xf32, #tpu.memory_space<vmem>>
    %dma_wait3A_133 = tpu.memref_squeeze %dma_wait3A_132 : memref<1x128xf32, #tpu.memory_space<vmem>> -> memref<128xf32, #tpu.memory_space<vmem>>
    %dma_wait3A_134 = arith.constant 0 : i32
    %dma_wait3A_135 = tpu.memref_slice %arg9[%dma_wait3A_129, %dma_wait3A_134] : memref<2x128xi32, #tpu.memory_space<vmem>> -> memref<1x128xi32, #tpu.memory_space<vmem>>
    %dma_wait3A_136 = tpu.memref_squeeze %dma_wait3A_135 : memref<1x128xi32, #tpu.memory_space<vmem>> -> memref<128xi32, #tpu.memory_space<vmem>>
    %dma_wait3A_137 = arith.constant 0 : i32
    %dma_wait3A_138 = tpu.memref_slice %arg5[%dma_wait3A_137] : memref<81920xf32, #tpu.memory_space<hbm>> -> memref<81920xf32, #tpu.memory_space<hbm>>
    tpu.wait_indirect_dma semaphore(%arg16 : memref<!tpu.dma_semaphore, #tpu.memory_space<semaphore_mem>>) src(%dma_wait3A_138 : memref<81920xf32, #tpu.memory_space<hbm>>) dst(%dma_wait3A_133 : memref<128xf32, #tpu.memory_space<vmem>>)
    %dma_start3A_139 = arith.constant 1 : i32
    %dma_start3A_140 = arith.constant 1 : i32
    %dma_start3A_141 = arith.constant 0 : i32
    %dma_start3A_142 = tpu.memref_slice %arg13[%dma_start3A_140, %dma_start3A_141] : memref<2x128xf32, #tpu.memory_space<vmem>> -> memref<1x128xf32, #tpu.memory_space<vmem>>
    %dma_start3A_143 = tpu.memref_squeeze %dma_start3A_142 : memref<1x128xf32, #tpu.memory_space<vmem>> -> memref<128xf32, #tpu.memory_space<vmem>>
    %dma_start3A_144 = arith.constant 0 : i32
    %dma_start3A_145 = tpu.memref_slice %arg9[%dma_start3A_139, %dma_start3A_144] : memref<2x128xi32, #tpu.memory_space<vmem>> -> memref<1x128xi32, #tpu.memory_space<vmem>>
    %dma_start3A_146 = tpu.memref_squeeze %dma_start3A_145 : memref<1x128xi32, #tpu.memory_space<vmem>> -> memref<128xi32, #tpu.memory_space<vmem>>
    %dma_start3A_147 = arith.constant 0 : i32
    %dma_start3A_148 = tpu.memref_slice %arg6[%dma_start3A_147] : memref<81920xf32, #tpu.memory_space<hbm>> -> memref<81920xf32, #tpu.memory_space<hbm>>
    tpu.enqueue_indirect_dma source(%dma_start3A_148 : memref<81920xf32, #tpu.memory_space<hbm>>) target(%dma_start3A_143 : memref<128xf32, #tpu.memory_space<vmem>>) offsets(%dma_start3A_146 : memref<128xi32, #tpu.memory_space<vmem>>) semaphore(%arg16 : memref<!tpu.dma_semaphore, #tpu.memory_space<semaphore_mem>>)
    %dma_wait3A_149 = arith.constant 1 : i32
    %dma_wait3A_150 = arith.constant 1 : i32
    %dma_wait3A_151 = arith.constant 0 : i32
    %dma_wait3A_152 = tpu.memref_slice %arg13[%dma_wait3A_150, %dma_wait3A_151] : memref<2x128xf32, #tpu.memory_space<vmem>> -> memref<1x128xf32, #tpu.memory_space<vmem>>
    %dma_wait3A_153 = tpu.memref_squeeze %dma_wait3A_152 : memref<1x128xf32, #tpu.memory_space<vmem>> -> memref<128xf32, #tpu.memory_space<vmem>>
    %dma_wait3A_154 = arith.constant 0 : i32
    %dma_wait3A_155 = tpu.memref_slice %arg9[%dma_wait3A_149, %dma_wait3A_154] : memref<2x128xi32, #tpu.memory_space<vmem>> -> memref<1x128xi32, #tpu.memory_space<vmem>>
    %dma_wait3A_156 = tpu.memref_squeeze %dma_wait3A_155 : memref<1x128xi32, #tpu.memory_space<vmem>> -> memref<128xi32, #tpu.memory_space<vmem>>
    %dma_wait3A_157 = arith.constant 0 : i32
    %dma_wait3A_158 = tpu.memref_slice %arg6[%dma_wait3A_157] : memref<81920xf32, #tpu.memory_space<hbm>> -> memref<81920xf32, #tpu.memory_space<hbm>>
    tpu.wait_indirect_dma semaphore(%arg16 : memref<!tpu.dma_semaphore, #tpu.memory_space<semaphore_mem>>) src(%dma_wait3A_158 : memref<81920xf32, #tpu.memory_space<hbm>>) dst(%dma_wait3A_153 : memref<128xf32, #tpu.memory_space<vmem>>)
    %broadcast_in_dim3A = arith.constant 0.000000e+00 : f32
    %broadcast_in_dim3A_159 = vector.broadcast %broadcast_in_dim3A : f32 to vector<16xf32>
    %broadcast_in_dim3A_160 = arith.constant 0.000000e+00 : f32
    %broadcast_in_dim3A_161 = vector.broadcast %broadcast_in_dim3A_160 : f32 to vector<16xf32>
    %get3A = arith.constant 0 : i32
    %get3A_162 = arith.index_cast %get3A : i32 to index
    %get3A_163 = arith.constant 0 : index
    %get3A_164 = tpu.vector_load %arg11[%get3A_162, %get3A_163] {strides = array<i32>} : memref<2x128xi32, #tpu.memory_space<vmem>>, vector<1x16xi32>,
    %get3A_165 = vector.shape_cast %get3A_164 : vector<1x16xi32> to vector<16xi32>
    %get3A_166 = arith.constant 0 : i32
    %get3A_167 = arith.index_cast %get3A_166 : i32 to index
    %get3A_168 = arith.constant 0 : index
    %get3A_169 = tpu.vector_load %arg10[%get3A_167, %get3A_168] {strides = array<i32>} : memref<2x128xi32, #tpu.memory_space<vmem>>, vector<1x16xi32>,
    %get3A_170 = vector.shape_cast %get3A_169 : vector<1x16xi32> to vector<16xi32>
    %eq3A = arith.cmpi eq, %get3A_165, %get3A_170 : vector<16xi32>
    %get3A_171 = arith.constant 0 : i32
    %get3A_172 = arith.index_cast %get3A_171 : i32 to index
    %get3A_173 = arith.constant 0 : index
    %get3A_174 = tpu.vector_load %arg12[%get3A_172, %get3A_173] {strides = array<i32>} : memref<2x128xf32, #tpu.memory_space<vmem>>, vector<1x16xf32>,
    %get3A_175 = vector.shape_cast %get3A_174 : vector<1x16xf32> to vector<16xf32>
    %jit3A = arith.constant 0.000000e+00 : f32
    %broadcast_in_dim3A_176 = vector.broadcast %jit3A : f32 to vector<16xf32>
    %select_n3A = arith.select %eq3A, %get3A_175, %broadcast_in_dim3A_176 : vector<16xi1>, vector<16xf32>
    %add3A_177 = arith.addf %broadcast_in_dim3A_159, %select_n3A : vector<16xf32>
    %get3A_178 = arith.constant 0 : i32
    %get3A_179 = arith.index_cast %get3A_178 : i32 to index
    %get3A_180 = arith.constant 0 : index
    %get3A_181 = tpu.vector_load %arg13[%get3A_179, %get3A_180] {strides = array<i32>} : memref<2x128xf32, #tpu.memory_space<vmem>>, vector<1x16xf32>,
    %get3A_182 = vector.shape_cast %get3A_181 : vector<1x16xf32> to vector<16xf32>
    %jit3A_183 = arith.constant 0.000000e+00 : f32
    %broadcast_in_dim3A_184 = vector.broadcast %jit3A_183 : f32 to vector<16xf32>
    %select_n3A_185 = arith.select %eq3A, %get3A_182, %broadcast_in_dim3A_184 : vector<16xi1>, vector<16xf32>
    %add3A_186 = arith.addf %broadcast_in_dim3A_161, %select_n3A_185 : vector<16xf32>
    %get3A_187 = arith.constant 0 : i32
    %get3A_188 = arith.index_cast %get3A_187 : i32 to index
    %get3A_189 = arith.constant 16 : index
    %get3A_190 = tpu.vector_load %arg11[%get3A_188, %get3A_189] {strides = array<i32>} : memref<2x128xi32, #tpu.memory_space<vmem>>, vector<1x16xi32>,
    %get3A_191 = vector.shape_cast %get3A_190 : vector<1x16xi32> to vector<16xi32>
    %get3A_192 = arith.constant 0 : i32
    %get3A_193 = arith.index_cast %get3A_192 : i32 to index
    %get3A_194 = arith.constant 16 : index
    %get3A_195 = tpu.vector_load %arg10[%get3A_193, %get3A_194] {strides = array<i32>} : memref<2x128xi32, #tpu.memory_space<vmem>>, vector<1x16xi32>,
    %get3A_196 = vector.shape_cast %get3A_195 : vector<1x16xi32> to vector<16xi32>
    %eq3A_197 = arith.cmpi eq, %get3A_191, %get3A_196 : vector<16xi32>
    %get3A_198 = arith.constant 0 : i32
    %get3A_199 = arith.index_cast %get3A_198 : i32 to index
    %get3A_200 = arith.constant 16 : index
    %get3A_201 = tpu.vector_load %arg12[%get3A_199, %get3A_200] {strides = array<i32>} : memref<2x128xf32, #tpu.memory_space<vmem>>, vector<1x16xf32>,
    %get3A_202 = vector.shape_cast %get3A_201 : vector<1x16xf32> to vector<16xf32>
    %jit3A_203 = arith.constant 0.000000e+00 : f32
    %broadcast_in_dim3A_204 = vector.broadcast %jit3A_203 : f32 to vector<16xf32>
    %select_n3A_205 = arith.select %eq3A_197, %get3A_202, %broadcast_in_dim3A_204 : vector<16xi1>, vector<16xf32>
    %add3A_206 = arith.addf %add3A_177, %select_n3A_205 : vector<16xf32>
    %get3A_207 = arith.constant 0 : i32
    %get3A_208 = arith.index_cast %get3A_207 : i32 to index
    %get3A_209 = arith.constant 16 : index
    %get3A_210 = tpu.vector_load %arg13[%get3A_208, %get3A_209] {strides = array<i32>} : memref<2x128xf32, #tpu.memory_space<vmem>>, vector<1x16xf32>,
    %get3A_211 = vector.shape_cast %get3A_210 : vector<1x16xf32> to vector<16xf32>
    %jit3A_212 = arith.constant 0.000000e+00 : f32
    %broadcast_in_dim3A_213 = vector.broadcast %jit3A_212 : f32 to vector<16xf32>
    %select_n3A_214 = arith.select %eq3A_197, %get3A_211, %broadcast_in_dim3A_213 : vector<16xi1>, vector<16xf32>
    %add3A_215 = arith.addf %add3A_186, %select_n3A_214 : vector<16xf32>
    %get3A_216 = arith.constant 0 : i32
    %get3A_217 = arith.index_cast %get3A_216 : i32 to index
    %get3A_218 = arith.constant 32 : index
    %get3A_219 = tpu.vector_load %arg11[%get3A_217, %get3A_218] {strides = array<i32>} : memref<2x128xi32, #tpu.memory_space<vmem>>, vector<1x16xi32>,
    %get3A_220 = vector.shape_cast %get3A_219 : vector<1x16xi32> to vector<16xi32>
    %get3A_221 = arith.constant 0 : i32
    %get3A_222 = arith.index_cast %get3A_221 : i32 to index
    %get3A_223 = arith.constant 32 : index
    %get3A_224 = tpu.vector_load %arg10[%get3A_222, %get3A_223] {strides = array<i32>} : memref<2x128xi32, #tpu.memory_space<vmem>>, vector<1x16xi32>,
    %get3A_225 = vector.shape_cast %get3A_224 : vector<1x16xi32> to vector<16xi32>
    %eq3A_226 = arith.cmpi eq, %get3A_220, %get3A_225 : vector<16xi32>
    %get3A_227 = arith.constant 0 : i32
    %get3A_228 = arith.index_cast %get3A_227 : i32 to index
    %get3A_229 = arith.constant 32 : index
    %get3A_230 = tpu.vector_load %arg12[%get3A_228, %get3A_229] {strides = array<i32>} : memref<2x128xf32, #tpu.memory_space<vmem>>, vector<1x16xf32>,
    %get3A_231 = vector.shape_cast %get3A_230 : vector<1x16xf32> to vector<16xf32>
    %jit3A_232 = arith.constant 0.000000e+00 : f32
    %broadcast_in_dim3A_233 = vector.broadcast %jit3A_232 : f32 to vector<16xf32>
    %select_n3A_234 = arith.select %eq3A_226, %get3A_231, %broadcast_in_dim3A_233 : vector<16xi1>, vector<16xf32>
    %add3A_235 = arith.addf %add3A_206, %select_n3A_234 : vector<16xf32>
    %get3A_236 = arith.constant 0 : i32
    %get3A_237 = arith.index_cast %get3A_236 : i32 to index
    %get3A_238 = arith.constant 32 : index
    %get3A_239 = tpu.vector_load %arg13[%get3A_237, %get3A_238] {strides = array<i32>} : memref<2x128xf32, #tpu.memory_space<vmem>>, vector<1x16xf32>,
    %get3A_240 = vector.shape_cast %get3A_239 : vector<1x16xf32> to vector<16xf32>
    %jit3A_241 = arith.constant 0.000000e+00 : f32
    %broadcast_in_dim3A_242 = vector.broadcast %jit3A_241 : f32 to vector<16xf32>
    %select_n3A_243 = arith.select %eq3A_226, %get3A_240, %broadcast_in_dim3A_242 : vector<16xi1>, vector<16xf32>
    %add3A_244 = arith.addf %add3A_215, %select_n3A_243 : vector<16xf32>
    %get3A_245 = arith.constant 0 : i32
    %get3A_246 = arith.index_cast %get3A_245 : i32 to index
    %get3A_247 = arith.constant 48 : index
    %get3A_248 = tpu.vector_load %arg11[%get3A_246, %get3A_247] {strides = array<i32>} : memref<2x128xi32, #tpu.memory_space<vmem>>, vector<1x16xi32>,
    %get3A_249 = vector.shape_cast %get3A_248 : vector<1x16xi32> to vector<16xi32>
    %get3A_250 = arith.constant 0 : i32
    %get3A_251 = arith.index_cast %get3A_250 : i32 to index
    %get3A_252 = arith.constant 48 : index
    %get3A_253 = tpu.vector_load %arg10[%get3A_251, %get3A_252] {strides = array<i32>} : memref<2x128xi32, #tpu.memory_space<vmem>>, vector<1x16xi32>,
    %get3A_254 = vector.shape_cast %get3A_253 : vector<1x16xi32> to vector<16xi32>
    %eq3A_255 = arith.cmpi eq, %get3A_249, %get3A_254 : vector<16xi32>
    %get3A_256 = arith.constant 0 : i32
    %get3A_257 = arith.index_cast %get3A_256 : i32 to index
    %get3A_258 = arith.constant 48 : index
    %get3A_259 = tpu.vector_load %arg12[%get3A_257, %get3A_258] {strides = array<i32>} : memref<2x128xf32, #tpu.memory_space<vmem>>, vector<1x16xf32>,
    %get3A_260 = vector.shape_cast %get3A_259 : vector<1x16xf32> to vector<16xf32>
    %jit3A_261 = arith.constant 0.000000e+00 : f32
    %broadcast_in_dim3A_262 = vector.broadcast %jit3A_261 : f32 to vector<16xf32>
    %select_n3A_263 = arith.select %eq3A_255, %get3A_260, %broadcast_in_dim3A_262 : vector<16xi1>, vector<16xf32>
    %add3A_264 = arith.addf %add3A_235, %select_n3A_263 : vector<16xf32>
    %get3A_265 = arith.constant 0 : i32
    %get3A_266 = arith.index_cast %get3A_265 : i32 to index
    %get3A_267 = arith.constant 48 : index
    %get3A_268 = tpu.vector_load %arg13[%get3A_266, %get3A_267] {strides = array<i32>} : memref<2x128xf32, #tpu.memory_space<vmem>>, vector<1x16xf32>,
    %get3A_269 = vector.shape_cast %get3A_268 : vector<1x16xf32> to vector<16xf32>
    %jit3A_270 = arith.constant 0.000000e+00 : f32
    %broadcast_in_dim3A_271 = vector.broadcast %jit3A_270 : f32 to vector<16xf32>
    %select_n3A_272 = arith.select %eq3A_255, %get3A_269, %broadcast_in_dim3A_271 : vector<16xi1>, vector<16xf32>
    %add3A_273 = arith.addf %add3A_244, %select_n3A_272 : vector<16xf32>
    %get3A_274 = arith.constant 0 : i32
    %get3A_275 = arith.index_cast %get3A_274 : i32 to index
    %get3A_276 = arith.constant 64 : index
    %get3A_277 = tpu.vector_load %arg11[%get3A_275, %get3A_276] {strides = array<i32>} : memref<2x128xi32, #tpu.memory_space<vmem>>, vector<1x16xi32>,
    %get3A_278 = vector.shape_cast %get3A_277 : vector<1x16xi32> to vector<16xi32>
    %get3A_279 = arith.constant 0 : i32
    %get3A_280 = arith.index_cast %get3A_279 : i32 to index
    %get3A_281 = arith.constant 64 : index
    %get3A_282 = tpu.vector_load %arg10[%get3A_280, %get3A_281] {strides = array<i32>} : memref<2x128xi32, #tpu.memory_space<vmem>>, vector<1x16xi32>,
    %get3A_283 = vector.shape_cast %get3A_282 : vector<1x16xi32> to vector<16xi32>
    %eq3A_284 = arith.cmpi eq, %get3A_278, %get3A_283 : vector<16xi32>
    %get3A_285 = arith.constant 0 : i32
    %get3A_286 = arith.index_cast %get3A_285 : i32 to index
    %get3A_287 = arith.constant 64 : index
    %get3A_288 = tpu.vector_load %arg12[%get3A_286, %get3A_287] {strides = array<i32>} : memref<2x128xf32, #tpu.memory_space<vmem>>, vector<1x16xf32>,
    %get3A_289 = vector.shape_cast %get3A_288 : vector<1x16xf32> to vector<16xf32>
    %jit3A_290 = arith.constant 0.000000e+00 : f32
    %broadcast_in_dim3A_291 = vector.broadcast %jit3A_290 : f32 to vector<16xf32>
    %select_n3A_292 = arith.select %eq3A_284, %get3A_289, %broadcast_in_dim3A_291 : vector<16xi1>, vector<16xf32>
    %add3A_293 = arith.addf %add3A_264, %select_n3A_292 : vector<16xf32>
    %get3A_294 = arith.constant 0 : i32
    %get3A_295 = arith.index_cast %get3A_294 : i32 to index
    %get3A_296 = arith.constant 64 : index
    %get3A_297 = tpu.vector_load %arg13[%get3A_295, %get3A_296] {strides = array<i32>} : memref<2x128xf32, #tpu.memory_space<vmem>>, vector<1x16xf32>,
    %get3A_298 = vector.shape_cast %get3A_297 : vector<1x16xf32> to vector<16xf32>
    %jit3A_299 = arith.constant 0.000000e+00 : f32
    %broadcast_in_dim3A_300 = vector.broadcast %jit3A_299 : f32 to vector<16xf32>
    %select_n3A_301 = arith.select %eq3A_284, %get3A_298, %broadcast_in_dim3A_300 : vector<16xi1>, vector<16xf32>
    %add3A_302 = arith.addf %add3A_273, %select_n3A_301 : vector<16xf32>
    %get3A_303 = arith.constant 0 : i32
    %get3A_304 = arith.index_cast %get3A_303 : i32 to index
    %get3A_305 = arith.constant 80 : index
    %get3A_306 = tpu.vector_load %arg11[%get3A_304, %get3A_305] {strides = array<i32>} : memref<2x128xi32, #tpu.memory_space<vmem>>, vector<1x16xi32>,
    %get3A_307 = vector.shape_cast %get3A_306 : vector<1x16xi32> to vector<16xi32>
    %get3A_308 = arith.constant 0 : i32
    %get3A_309 = arith.index_cast %get3A_308 : i32 to index
    %get3A_310 = arith.constant 80 : index
    %get3A_311 = tpu.vector_load %arg10[%get3A_309, %get3A_310] {strides = array<i32>} : memref<2x128xi32, #tpu.memory_space<vmem>>, vector<1x16xi32>,
    %get3A_312 = vector.shape_cast %get3A_311 : vector<1x16xi32> to vector<16xi32>
    %eq3A_313 = arith.cmpi eq, %get3A_307, %get3A_312 : vector<16xi32>
    %get3A_314 = arith.constant 0 : i32
    %get3A_315 = arith.index_cast %get3A_314 : i32 to index
    %get3A_316 = arith.constant 80 : index
    %get3A_317 = tpu.vector_load %arg12[%get3A_315, %get3A_316] {strides = array<i32>} : memref<2x128xf32, #tpu.memory_space<vmem>>, vector<1x16xf32>,
    %get3A_318 = vector.shape_cast %get3A_317 : vector<1x16xf32> to vector<16xf32>
    %jit3A_319 = arith.constant 0.000000e+00 : f32
    %broadcast_in_dim3A_320 = vector.broadcast %jit3A_319 : f32 to vector<16xf32>
    %select_n3A_321 = arith.select %eq3A_313, %get3A_318, %broadcast_in_dim3A_320 : vector<16xi1>, vector<16xf32>
    %add3A_322 = arith.addf %add3A_293, %select_n3A_321 : vector<16xf32>
    %get3A_323 = arith.constant 0 : i32
    %get3A_324 = arith.index_cast %get3A_323 : i32 to index
    %get3A_325 = arith.constant 80 : index
    %get3A_326 = tpu.vector_load %arg13[%get3A_324, %get3A_325] {strides = array<i32>} : memref<2x128xf32, #tpu.memory_space<vmem>>, vector<1x16xf32>,
    %get3A_327 = vector.shape_cast %get3A_326 : vector<1x16xf32> to vector<16xf32>
    %jit3A_328 = arith.constant 0.000000e+00 : f32
    %broadcast_in_dim3A_329 = vector.broadcast %jit3A_328 : f32 to vector<16xf32>
    %select_n3A_330 = arith.select %eq3A_313, %get3A_327, %broadcast_in_dim3A_329 : vector<16xi1>, vector<16xf32>
    %add3A_331 = arith.addf %add3A_302, %select_n3A_330 : vector<16xf32>
    %get3A_332 = arith.constant 0 : i32
    %get3A_333 = arith.index_cast %get3A_332 : i32 to index
    %get3A_334 = arith.constant 96 : index
    %get3A_335 = tpu.vector_load %arg11[%get3A_333, %get3A_334] {strides = array<i32>} : memref<2x128xi32, #tpu.memory_space<vmem>>, vector<1x16xi32>,
    %get3A_336 = vector.shape_cast %get3A_335 : vector<1x16xi32> to vector<16xi32>
    %get3A_337 = arith.constant 0 : i32
    %get3A_338 = arith.index_cast %get3A_337 : i32 to index
    %get3A_339 = arith.constant 96 : index
    %get3A_340 = tpu.vector_load %arg10[%get3A_338, %get3A_339] {strides = array<i32>} : memref<2x128xi32, #tpu.memory_space<vmem>>, vector<1x16xi32>,
    %get3A_341 = vector.shape_cast %get3A_340 : vector<1x16xi32> to vector<16xi32>
    %eq3A_342 = arith.cmpi eq, %get3A_336, %get3A_341 : vector<16xi32>
    %get3A_343 = arith.constant 0 : i32
    %get3A_344 = arith.index_cast %get3A_343 : i32 to index
    %get3A_345 = arith.constant 96 : index
    %get3A_346 = tpu.vector_load %arg12[%get3A_344, %get3A_345] {strides = array<i32>} : memref<2x128xf32, #tpu.memory_space<vmem>>, vector<1x16xf32>,
    %get3A_347 = vector.shape_cast %get3A_346 : vector<1x16xf32> to vector<16xf32>
    %jit3A_348 = arith.constant 0.000000e+00 : f32
    %broadcast_in_dim3A_349 = vector.broadcast %jit3A_348 : f32 to vector<16xf32>
    %select_n3A_350 = arith.select %eq3A_342, %get3A_347, %broadcast_in_dim3A_349 : vector<16xi1>, vector<16xf32>
    %add3A_351 = arith.addf %add3A_322, %select_n3A_350 : vector<16xf32>
    %get3A_352 = arith.constant 0 : i32
    %get3A_353 = arith.index_cast %get3A_352 : i32 to index
    %get3A_354 = arith.constant 96 : index
    %get3A_355 = tpu.vector_load %arg13[%get3A_353, %get3A_354] {strides = array<i32>} : memref<2x128xf32, #tpu.memory_space<vmem>>, vector<1x16xf32>,
    %get3A_356 = vector.shape_cast %get3A_355 : vector<1x16xf32> to vector<16xf32>
    %jit3A_357 = arith.constant 0.000000e+00 : f32
    %broadcast_in_dim3A_358 = vector.broadcast %jit3A_357 : f32 to vector<16xf32>
    %select_n3A_359 = arith.select %eq3A_342, %get3A_356, %broadcast_in_dim3A_358 : vector<16xi1>, vector<16xf32>
    %add3A_360 = arith.addf %add3A_331, %select_n3A_359 : vector<16xf32>
    %get3A_361 = arith.constant 0 : i32
    %get3A_362 = arith.index_cast %get3A_361 : i32 to index
    %get3A_363 = arith.constant 112 : index
    %get3A_364 = tpu.vector_load %arg11[%get3A_362, %get3A_363] {strides = array<i32>} : memref<2x128xi32, #tpu.memory_space<vmem>>, vector<1x16xi32>,
    %get3A_365 = vector.shape_cast %get3A_364 : vector<1x16xi32> to vector<16xi32>
    %get3A_366 = arith.constant 0 : i32
    %get3A_367 = arith.index_cast %get3A_366 : i32 to index
    %get3A_368 = arith.constant 112 : index
    %get3A_369 = tpu.vector_load %arg10[%get3A_367, %get3A_368] {strides = array<i32>} : memref<2x128xi32, #tpu.memory_space<vmem>>, vector<1x16xi32>,
    %get3A_370 = vector.shape_cast %get3A_369 : vector<1x16xi32> to vector<16xi32>
    %eq3A_371 = arith.cmpi eq, %get3A_365, %get3A_370 : vector<16xi32>
    %get3A_372 = arith.constant 0 : i32
    %get3A_373 = arith.index_cast %get3A_372 : i32 to index
    %get3A_374 = arith.constant 112 : index
    %get3A_375 = tpu.vector_load %arg12[%get3A_373, %get3A_374] {strides = array<i32>} : memref<2x128xf32, #tpu.memory_space<vmem>>, vector<1x16xf32>,
    %get3A_376 = vector.shape_cast %get3A_375 : vector<1x16xf32> to vector<16xf32>
    %jit3A_377 = arith.constant 0.000000e+00 : f32
    %broadcast_in_dim3A_378 = vector.broadcast %jit3A_377 : f32 to vector<16xf32>
    %select_n3A_379 = arith.select %eq3A_371, %get3A_376, %broadcast_in_dim3A_378 : vector<16xi1>, vector<16xf32>
    %add3A_380 = arith.addf %add3A_351, %select_n3A_379 : vector<16xf32>
    %get3A_381 = arith.constant 0 : i32
    %get3A_382 = arith.index_cast %get3A_381 : i32 to index
    %get3A_383 = arith.constant 112 : index
    %get3A_384 = tpu.vector_load %arg13[%get3A_382, %get3A_383] {strides = array<i32>} : memref<2x128xf32, #tpu.memory_space<vmem>>, vector<1x16xf32>,
    %get3A_385 = vector.shape_cast %get3A_384 : vector<1x16xf32> to vector<16xf32>
    %jit3A_386 = arith.constant 0.000000e+00 : f32
    %broadcast_in_dim3A_387 = vector.broadcast %jit3A_386 : f32 to vector<16xf32>
    %select_n3A_388 = arith.select %eq3A_371, %get3A_385, %broadcast_in_dim3A_387 : vector<16xi1>, vector<16xf32>
    %add3A_389 = arith.addf %add3A_360, %select_n3A_388 : vector<16xf32>
    %get3A_390 = arith.constant 1 : i32
    %get3A_391 = arith.index_cast %get3A_390 : i32 to index
    %get3A_392 = arith.constant 0 : index
    %get3A_393 = tpu.vector_load %arg11[%get3A_391, %get3A_392] {strides = array<i32>} : memref<2x128xi32, #tpu.memory_space<vmem>>, vector<1x16xi32>,
    %get3A_394 = vector.shape_cast %get3A_393 : vector<1x16xi32> to vector<16xi32>
    %get3A_395 = arith.constant 1 : i32
    %get3A_396 = arith.index_cast %get3A_395 : i32 to index
    %get3A_397 = arith.constant 0 : index
    %get3A_398 = tpu.vector_load %arg10[%get3A_396, %get3A_397] {strides = array<i32>} : memref<2x128xi32, #tpu.memory_space<vmem>>, vector<1x16xi32>,
    %get3A_399 = vector.shape_cast %get3A_398 : vector<1x16xi32> to vector<16xi32>
    %eq3A_400 = arith.cmpi eq, %get3A_394, %get3A_399 : vector<16xi32>
    %get3A_401 = arith.constant 1 : i32
    %get3A_402 = arith.index_cast %get3A_401 : i32 to index
    %get3A_403 = arith.constant 0 : index
    %get3A_404 = tpu.vector_load %arg12[%get3A_402, %get3A_403] {strides = array<i32>} : memref<2x128xf32, #tpu.memory_space<vmem>>, vector<1x16xf32>,
    %get3A_405 = vector.shape_cast %get3A_404 : vector<1x16xf32> to vector<16xf32>
    %jit3A_406 = arith.constant 0.000000e+00 : f32
    %broadcast_in_dim3A_407 = vector.broadcast %jit3A_406 : f32 to vector<16xf32>
    %select_n3A_408 = arith.select %eq3A_400, %get3A_405, %broadcast_in_dim3A_407 : vector<16xi1>, vector<16xf32>
    %add3A_409 = arith.addf %add3A_380, %select_n3A_408 : vector<16xf32>
    %get3A_410 = arith.constant 1 : i32
    %get3A_411 = arith.index_cast %get3A_410 : i32 to index
    %get3A_412 = arith.constant 0 : index
    %get3A_413 = tpu.vector_load %arg13[%get3A_411, %get3A_412] {strides = array<i32>} : memref<2x128xf32, #tpu.memory_space<vmem>>, vector<1x16xf32>,
    %get3A_414 = vector.shape_cast %get3A_413 : vector<1x16xf32> to vector<16xf32>
    %jit3A_415 = arith.constant 0.000000e+00 : f32
    %broadcast_in_dim3A_416 = vector.broadcast %jit3A_415 : f32 to vector<16xf32>
    %select_n3A_417 = arith.select %eq3A_400, %get3A_414, %broadcast_in_dim3A_416 : vector<16xi1>, vector<16xf32>
    %add3A_418 = arith.addf %add3A_389, %select_n3A_417 : vector<16xf32>
    %get3A_419 = arith.constant 1 : i32
    %get3A_420 = arith.index_cast %get3A_419 : i32 to index
    %get3A_421 = arith.constant 16 : index
    %get3A_422 = tpu.vector_load %arg11[%get3A_420, %get3A_421] {strides = array<i32>} : memref<2x128xi32, #tpu.memory_space<vmem>>, vector<1x16xi32>,
    %get3A_423 = vector.shape_cast %get3A_422 : vector<1x16xi32> to vector<16xi32>
    %get3A_424 = arith.constant 1 : i32
    %get3A_425 = arith.index_cast %get3A_424 : i32 to index
    %get3A_426 = arith.constant 16 : index
    %get3A_427 = tpu.vector_load %arg10[%get3A_425, %get3A_426] {strides = array<i32>} : memref<2x128xi32, #tpu.memory_space<vmem>>, vector<1x16xi32>,
    %get3A_428 = vector.shape_cast %get3A_427 : vector<1x16xi32> to vector<16xi32>
    %eq3A_429 = arith.cmpi eq, %get3A_423, %get3A_428 : vector<16xi32>
    %get3A_430 = arith.constant 1 : i32
    %get3A_431 = arith.index_cast %get3A_430 : i32 to index
    %get3A_432 = arith.constant 16 : index
    %get3A_433 = tpu.vector_load %arg12[%get3A_431, %get3A_432] {strides = array<i32>} : memref<2x128xf32, #tpu.memory_space<vmem>>, vector<1x16xf32>,
    %get3A_434 = vector.shape_cast %get3A_433 : vector<1x16xf32> to vector<16xf32>
    %jit3A_435 = arith.constant 0.000000e+00 : f32
    %broadcast_in_dim3A_436 = vector.broadcast %jit3A_435 : f32 to vector<16xf32>
    %select_n3A_437 = arith.select %eq3A_429, %get3A_434, %broadcast_in_dim3A_436 : vector<16xi1>, vector<16xf32>
    %add3A_438 = arith.addf %add3A_409, %select_n3A_437 : vector<16xf32>
    %get3A_439 = arith.constant 1 : i32
    %get3A_440 = arith.index_cast %get3A_439 : i32 to index
    %get3A_441 = arith.constant 16 : index
    %get3A_442 = tpu.vector_load %arg13[%get3A_440, %get3A_441] {strides = array<i32>} : memref<2x128xf32, #tpu.memory_space<vmem>>, vector<1x16xf32>,
    %get3A_443 = vector.shape_cast %get3A_442 : vector<1x16xf32> to vector<16xf32>
    %jit3A_444 = arith.constant 0.000000e+00 : f32
    %broadcast_in_dim3A_445 = vector.broadcast %jit3A_444 : f32 to vector<16xf32>
    %select_n3A_446 = arith.select %eq3A_429, %get3A_443, %broadcast_in_dim3A_445 : vector<16xi1>, vector<16xf32>
    %add3A_447 = arith.addf %add3A_418, %select_n3A_446 : vector<16xf32>
    %get3A_448 = arith.constant 1 : i32
    %get3A_449 = arith.index_cast %get3A_448 : i32 to index
    %get3A_450 = arith.constant 32 : index
    %get3A_451 = tpu.vector_load %arg11[%get3A_449, %get3A_450] {strides = array<i32>} : memref<2x128xi32, #tpu.memory_space<vmem>>, vector<1x16xi32>,
    %get3A_452 = vector.shape_cast %get3A_451 : vector<1x16xi32> to vector<16xi32>
    %get3A_453 = arith.constant 1 : i32
    %get3A_454 = arith.index_cast %get3A_453 : i32 to index
    %get3A_455 = arith.constant 32 : index
    %get3A_456 = tpu.vector_load %arg10[%get3A_454, %get3A_455] {strides = array<i32>} : memref<2x128xi32, #tpu.memory_space<vmem>>, vector<1x16xi32>,
    %get3A_457 = vector.shape_cast %get3A_456 : vector<1x16xi32> to vector<16xi32>
    %eq3A_458 = arith.cmpi eq, %get3A_452, %get3A_457 : vector<16xi32>
    %get3A_459 = arith.constant 1 : i32
    %get3A_460 = arith.index_cast %get3A_459 : i32 to index
    %get3A_461 = arith.constant 32 : index
    %get3A_462 = tpu.vector_load %arg12[%get3A_460, %get3A_461] {strides = array<i32>} : memref<2x128xf32, #tpu.memory_space<vmem>>, vector<1x16xf32>,
    %get3A_463 = vector.shape_cast %get3A_462 : vector<1x16xf32> to vector<16xf32>
    %jit3A_464 = arith.constant 0.000000e+00 : f32
    %broadcast_in_dim3A_465 = vector.broadcast %jit3A_464 : f32 to vector<16xf32>
    %select_n3A_466 = arith.select %eq3A_458, %get3A_463, %broadcast_in_dim3A_465 : vector<16xi1>, vector<16xf32>
    %add3A_467 = arith.addf %add3A_438, %select_n3A_466 : vector<16xf32>
    %get3A_468 = arith.constant 1 : i32
    %get3A_469 = arith.index_cast %get3A_468 : i32 to index
    %get3A_470 = arith.constant 32 : index
    %get3A_471 = tpu.vector_load %arg13[%get3A_469, %get3A_470] {strides = array<i32>} : memref<2x128xf32, #tpu.memory_space<vmem>>, vector<1x16xf32>,
    %get3A_472 = vector.shape_cast %get3A_471 : vector<1x16xf32> to vector<16xf32>
    %jit3A_473 = arith.constant 0.000000e+00 : f32
    %broadcast_in_dim3A_474 = vector.broadcast %jit3A_473 : f32 to vector<16xf32>
    %select_n3A_475 = arith.select %eq3A_458, %get3A_472, %broadcast_in_dim3A_474 : vector<16xi1>, vector<16xf32>
    %add3A_476 = arith.addf %add3A_447, %select_n3A_475 : vector<16xf32>
    %get3A_477 = arith.constant 1 : i32
    %get3A_478 = arith.index_cast %get3A_477 : i32 to index
    %get3A_479 = arith.constant 48 : index
    %get3A_480 = tpu.vector_load %arg11[%get3A_478, %get3A_479] {strides = array<i32>} : memref<2x128xi32, #tpu.memory_space<vmem>>, vector<1x16xi32>,
    %get3A_481 = vector.shape_cast %get3A_480 : vector<1x16xi32> to vector<16xi32>
    %get3A_482 = arith.constant 1 : i32
    %get3A_483 = arith.index_cast %get3A_482 : i32 to index
    %get3A_484 = arith.constant 48 : index
    %get3A_485 = tpu.vector_load %arg10[%get3A_483, %get3A_484] {strides = array<i32>} : memref<2x128xi32, #tpu.memory_space<vmem>>, vector<1x16xi32>,
    %get3A_486 = vector.shape_cast %get3A_485 : vector<1x16xi32> to vector<16xi32>
    %eq3A_487 = arith.cmpi eq, %get3A_481, %get3A_486 : vector<16xi32>
    %get3A_488 = arith.constant 1 : i32
    %get3A_489 = arith.index_cast %get3A_488 : i32 to index
    %get3A_490 = arith.constant 48 : index
    %get3A_491 = tpu.vector_load %arg12[%get3A_489, %get3A_490] {strides = array<i32>} : memref<2x128xf32, #tpu.memory_space<vmem>>, vector<1x16xf32>,
    %get3A_492 = vector.shape_cast %get3A_491 : vector<1x16xf32> to vector<16xf32>
    %jit3A_493 = arith.constant 0.000000e+00 : f32
    %broadcast_in_dim3A_494 = vector.broadcast %jit3A_493 : f32 to vector<16xf32>
    %select_n3A_495 = arith.select %eq3A_487, %get3A_492, %broadcast_in_dim3A_494 : vector<16xi1>, vector<16xf32>
    %add3A_496 = arith.addf %add3A_467, %select_n3A_495 : vector<16xf32>
    %get3A_497 = arith.constant 1 : i32
    %get3A_498 = arith.index_cast %get3A_497 : i32 to index
    %get3A_499 = arith.constant 48 : index
    %get3A_500 = tpu.vector_load %arg13[%get3A_498, %get3A_499] {strides = array<i32>} : memref<2x128xf32, #tpu.memory_space<vmem>>, vector<1x16xf32>,
    %get3A_501 = vector.shape_cast %get3A_500 : vector<1x16xf32> to vector<16xf32>
    %jit3A_502 = arith.constant 0.000000e+00 : f32
    %broadcast_in_dim3A_503 = vector.broadcast %jit3A_502 : f32 to vector<16xf32>
    %select_n3A_504 = arith.select %eq3A_487, %get3A_501, %broadcast_in_dim3A_503 : vector<16xi1>, vector<16xf32>
    %add3A_505 = arith.addf %add3A_476, %select_n3A_504 : vector<16xf32>
    %get3A_506 = arith.constant 1 : i32
    %get3A_507 = arith.index_cast %get3A_506 : i32 to index
    %get3A_508 = arith.constant 64 : index
    %get3A_509 = tpu.vector_load %arg11[%get3A_507, %get3A_508] {strides = array<i32>} : memref<2x128xi32, #tpu.memory_space<vmem>>, vector<1x16xi32>,
    %get3A_510 = vector.shape_cast %get3A_509 : vector<1x16xi32> to vector<16xi32>
    %get3A_511 = arith.constant 1 : i32
    %get3A_512 = arith.index_cast %get3A_511 : i32 to index
    %get3A_513 = arith.constant 64 : index
    %get3A_514 = tpu.vector_load %arg10[%get3A_512, %get3A_513] {strides = array<i32>} : memref<2x128xi32, #tpu.memory_space<vmem>>, vector<1x16xi32>,
    %get3A_515 = vector.shape_cast %get3A_514 : vector<1x16xi32> to vector<16xi32>
    %eq3A_516 = arith.cmpi eq, %get3A_510, %get3A_515 : vector<16xi32>
    %get3A_517 = arith.constant 1 : i32
    %get3A_518 = arith.index_cast %get3A_517 : i32 to index
    %get3A_519 = arith.constant 64 : index
    %get3A_520 = tpu.vector_load %arg12[%get3A_518, %get3A_519] {strides = array<i32>} : memref<2x128xf32, #tpu.memory_space<vmem>>, vector<1x16xf32>,
    %get3A_521 = vector.shape_cast %get3A_520 : vector<1x16xf32> to vector<16xf32>
    %jit3A_522 = arith.constant 0.000000e+00 : f32
    %broadcast_in_dim3A_523 = vector.broadcast %jit3A_522 : f32 to vector<16xf32>
    %select_n3A_524 = arith.select %eq3A_516, %get3A_521, %broadcast_in_dim3A_523 : vector<16xi1>, vector<16xf32>
    %add3A_525 = arith.addf %add3A_496, %select_n3A_524 : vector<16xf32>
    %get3A_526 = arith.constant 1 : i32
    %get3A_527 = arith.index_cast %get3A_526 : i32 to index
    %get3A_528 = arith.constant 64 : index
    %get3A_529 = tpu.vector_load %arg13[%get3A_527, %get3A_528] {strides = array<i32>} : memref<2x128xf32, #tpu.memory_space<vmem>>, vector<1x16xf32>,
    %get3A_530 = vector.shape_cast %get3A_529 : vector<1x16xf32> to vector<16xf32>
    %jit3A_531 = arith.constant 0.000000e+00 : f32
    %broadcast_in_dim3A_532 = vector.broadcast %jit3A_531 : f32 to vector<16xf32>
    %select_n3A_533 = arith.select %eq3A_516, %get3A_530, %broadcast_in_dim3A_532 : vector<16xi1>, vector<16xf32>
    %add3A_534 = arith.addf %add3A_505, %select_n3A_533 : vector<16xf32>
    %get3A_535 = arith.constant 1 : i32
    %get3A_536 = arith.index_cast %get3A_535 : i32 to index
    %get3A_537 = arith.constant 80 : index
    %get3A_538 = tpu.vector_load %arg11[%get3A_536, %get3A_537] {strides = array<i32>} : memref<2x128xi32, #tpu.memory_space<vmem>>, vector<1x16xi32>,
    %get3A_539 = vector.shape_cast %get3A_538 : vector<1x16xi32> to vector<16xi32>
    %get3A_540 = arith.constant 1 : i32
    %get3A_541 = arith.index_cast %get3A_540 : i32 to index
    %get3A_542 = arith.constant 80 : index
    %get3A_543 = tpu.vector_load %arg10[%get3A_541, %get3A_542] {strides = array<i32>} : memref<2x128xi32, #tpu.memory_space<vmem>>, vector<1x16xi32>,
    %get3A_544 = vector.shape_cast %get3A_543 : vector<1x16xi32> to vector<16xi32>
    %eq3A_545 = arith.cmpi eq, %get3A_539, %get3A_544 : vector<16xi32>
    %get3A_546 = arith.constant 1 : i32
    %get3A_547 = arith.index_cast %get3A_546 : i32 to index
    %get3A_548 = arith.constant 80 : index
    %get3A_549 = tpu.vector_load %arg12[%get3A_547, %get3A_548] {strides = array<i32>} : memref<2x128xf32, #tpu.memory_space<vmem>>, vector<1x16xf32>,
    %get3A_550 = vector.shape_cast %get3A_549 : vector<1x16xf32> to vector<16xf32>
    %jit3A_551 = arith.constant 0.000000e+00 : f32
    %broadcast_in_dim3A_552 = vector.broadcast %jit3A_551 : f32 to vector<16xf32>
    %select_n3A_553 = arith.select %eq3A_545, %get3A_550, %broadcast_in_dim3A_552 : vector<16xi1>, vector<16xf32>
    %add3A_554 = arith.addf %add3A_525, %select_n3A_553 : vector<16xf32>
    %get3A_555 = arith.constant 1 : i32
    %get3A_556 = arith.index_cast %get3A_555 : i32 to index
    %get3A_557 = arith.constant 80 : index
    %get3A_558 = tpu.vector_load %arg13[%get3A_556, %get3A_557] {strides = array<i32>} : memref<2x128xf32, #tpu.memory_space<vmem>>, vector<1x16xf32>,
    %get3A_559 = vector.shape_cast %get3A_558 : vector<1x16xf32> to vector<16xf32>
    %jit3A_560 = arith.constant 0.000000e+00 : f32
    %broadcast_in_dim3A_561 = vector.broadcast %jit3A_560 : f32 to vector<16xf32>
    %select_n3A_562 = arith.select %eq3A_545, %get3A_559, %broadcast_in_dim3A_561 : vector<16xi1>, vector<16xf32>
    %add3A_563 = arith.addf %add3A_534, %select_n3A_562 : vector<16xf32>
    %get3A_564 = arith.constant 1 : i32
    %get3A_565 = arith.index_cast %get3A_564 : i32 to index
    %get3A_566 = arith.constant 96 : index
    %get3A_567 = tpu.vector_load %arg11[%get3A_565, %get3A_566] {strides = array<i32>} : memref<2x128xi32, #tpu.memory_space<vmem>>, vector<1x16xi32>,
    %get3A_568 = vector.shape_cast %get3A_567 : vector<1x16xi32> to vector<16xi32>
    %get3A_569 = arith.constant 1 : i32
    %get3A_570 = arith.index_cast %get3A_569 : i32 to index
    %get3A_571 = arith.constant 96 : index
    %get3A_572 = tpu.vector_load %arg10[%get3A_570, %get3A_571] {strides = array<i32>} : memref<2x128xi32, #tpu.memory_space<vmem>>, vector<1x16xi32>,
    %get3A_573 = vector.shape_cast %get3A_572 : vector<1x16xi32> to vector<16xi32>
    %eq3A_574 = arith.cmpi eq, %get3A_568, %get3A_573 : vector<16xi32>
    %get3A_575 = arith.constant 1 : i32
    %get3A_576 = arith.index_cast %get3A_575 : i32 to index
    %get3A_577 = arith.constant 96 : index
    %get3A_578 = tpu.vector_load %arg12[%get3A_576, %get3A_577] {strides = array<i32>} : memref<2x128xf32, #tpu.memory_space<vmem>>, vector<1x16xf32>,
    %get3A_579 = vector.shape_cast %get3A_578 : vector<1x16xf32> to vector<16xf32>
    %jit3A_580 = arith.constant 0.000000e+00 : f32
    %broadcast_in_dim3A_581 = vector.broadcast %jit3A_580 : f32 to vector<16xf32>
    %select_n3A_582 = arith.select %eq3A_574, %get3A_579, %broadcast_in_dim3A_581 : vector<16xi1>, vector<16xf32>
    %add3A_583 = arith.addf %add3A_554, %select_n3A_582 : vector<16xf32>
    %get3A_584 = arith.constant 1 : i32
    %get3A_585 = arith.index_cast %get3A_584 : i32 to index
    %get3A_586 = arith.constant 96 : index
    %get3A_587 = tpu.vector_load %arg13[%get3A_585, %get3A_586] {strides = array<i32>} : memref<2x128xf32, #tpu.memory_space<vmem>>, vector<1x16xf32>,
    %get3A_588 = vector.shape_cast %get3A_587 : vector<1x16xf32> to vector<16xf32>
    %jit3A_589 = arith.constant 0.000000e+00 : f32
    %broadcast_in_dim3A_590 = vector.broadcast %jit3A_589 : f32 to vector<16xf32>
    %select_n3A_591 = arith.select %eq3A_574, %get3A_588, %broadcast_in_dim3A_590 : vector<16xi1>, vector<16xf32>
    %add3A_592 = arith.addf %add3A_563, %select_n3A_591 : vector<16xf32>
    %get3A_593 = arith.constant 1 : i32
    %get3A_594 = arith.index_cast %get3A_593 : i32 to index
    %get3A_595 = arith.constant 112 : index
    %get3A_596 = tpu.vector_load %arg11[%get3A_594, %get3A_595] {strides = array<i32>} : memref<2x128xi32, #tpu.memory_space<vmem>>, vector<1x16xi32>,
    %get3A_597 = vector.shape_cast %get3A_596 : vector<1x16xi32> to vector<16xi32>
    %get3A_598 = arith.constant 1 : i32
    %get3A_599 = arith.index_cast %get3A_598 : i32 to index
    %get3A_600 = arith.constant 112 : index
    %get3A_601 = tpu.vector_load %arg10[%get3A_599, %get3A_600] {strides = array<i32>} : memref<2x128xi32, #tpu.memory_space<vmem>>, vector<1x16xi32>,
    %get3A_602 = vector.shape_cast %get3A_601 : vector<1x16xi32> to vector<16xi32>
    %eq3A_603 = arith.cmpi eq, %get3A_597, %get3A_602 : vector<16xi32>
    %get3A_604 = arith.constant 1 : i32
    %get3A_605 = arith.index_cast %get3A_604 : i32 to index
    %get3A_606 = arith.constant 112 : index
    %get3A_607 = tpu.vector_load %arg12[%get3A_605, %get3A_606] {strides = array<i32>} : memref<2x128xf32, #tpu.memory_space<vmem>>, vector<1x16xf32>,
    %get3A_608 = vector.shape_cast %get3A_607 : vector<1x16xf32> to vector<16xf32>
    %jit3A_609 = arith.constant 0.000000e+00 : f32
    %broadcast_in_dim3A_610 = vector.broadcast %jit3A_609 : f32 to vector<16xf32>
    %select_n3A_611 = arith.select %eq3A_603, %get3A_608, %broadcast_in_dim3A_610 : vector<16xi1>, vector<16xf32>
    %add3A_612 = arith.addf %add3A_583, %select_n3A_611 : vector<16xf32>
    %get3A_613 = arith.constant 1 : i32
    %get3A_614 = arith.index_cast %get3A_613 : i32 to index
    %get3A_615 = arith.constant 112 : index
    %get3A_616 = tpu.vector_load %arg13[%get3A_614, %get3A_615] {strides = array<i32>} : memref<2x128xf32, #tpu.memory_space<vmem>>, vector<1x16xf32>,
    %get3A_617 = vector.shape_cast %get3A_616 : vector<1x16xf32> to vector<16xf32>
    %jit3A_618 = arith.constant 0.000000e+00 : f32
    %broadcast_in_dim3A_619 = vector.broadcast %jit3A_618 : f32 to vector<16xf32>
    %select_n3A_620 = arith.select %eq3A_603, %get3A_617, %broadcast_in_dim3A_619 : vector<16xi1>, vector<16xf32>
    %add3A_621 = arith.addf %add3A_592, %select_n3A_620 : vector<16xf32>
    %swap3A = arith.constant 0 : i32
    %swap3A_622 = arith.index_cast %swap3A : i32 to index
    %swap3A_623 = arith.constant 0 : index
    %swap3A_624 = tpu.vector_load %arg14[%swap3A_622, %swap3A_623] {strides = array<i32>} : memref<2x16xf32, #tpu.memory_space<vmem>>, vector<1x16xf32>,
    %swap3A_625 = vector.shape_cast %swap3A_624 : vector<1x16xf32> to vector<16xf32>
    %swap3A_626 = vector.shape_cast %add3A_612 : vector<16xf32> to vector<1x16xf32>
    tpu.vector_store %arg14[%swap3A_622, %swap3A_623], %swap3A_626 {strides = array<i32>} : memref<2x16xf32, #tpu.memory_space<vmem>>, vector<1x16xf32>,
    %swap3A_627 = arith.constant 1 : i32
    %swap3A_628 = arith.index_cast %swap3A_627 : i32 to index
    %swap3A_629 = arith.constant 0 : index
    %swap3A_630 = tpu.vector_load %arg14[%swap3A_628, %swap3A_629] {strides = array<i32>} : memref<2x16xf32, #tpu.memory_space<vmem>>, vector<1x16xf32>,
    %swap3A_631 = vector.shape_cast %swap3A_630 : vector<1x16xf32> to vector<16xf32>
    %swap3A_632 = vector.shape_cast %add3A_621 : vector<16xf32> to vector<1x16xf32>
    tpu.vector_store %arg14[%swap3A_628, %swap3A_629], %swap3A_632 {strides = array<i32>} : memref<2x16xf32, #tpu.memory_space<vmem>>, vector<1x16xf32>,
    "tpu.region"() ({
      %run_scoped3A = tpu.sem_alloc : memref<!tpu.dma_semaphore, #tpu.memory_space<semaphore_mem>>
      %dma_start3A_633 = arith.constant 0 : i32
      %dma_start3A_634 = arith.constant 0 : i32
      %dma_start3A_635 = tpu.memref_slice %arg7[%add3A, %dma_start3A_633, %dma_start3A_634] : memref<32x2x16xf32, #tpu.memory_space<hbm>> -> memref<1x2x16xf32, #tpu.memory_space<hbm>>
      %dma_start3A_636 = tpu.memref_squeeze %dma_start3A_635 : memref<1x2x16xf32, #tpu.memory_space<hbm>> -> memref<2x16xf32, #tpu.memory_space<hbm>>
      %dma_start3A_637 = arith.constant 0 : i32
      %dma_start3A_638 = arith.constant 0 : i32
      %dma_start3A_639 = tpu.memref_slice %arg7[%add3A, %dma_start3A_637, %dma_start3A_638] : memref<32x2x16xf32, #tpu.memory_space<hbm>> -> memref<1x2x16xf32, #tpu.memory_space<hbm>>
      %dma_start3A_640 = tpu.memref_squeeze %dma_start3A_639 : memref<1x2x16xf32, #tpu.memory_space<hbm>> -> memref<2x16xf32, #tpu.memory_space<hbm>>
      tpu.enqueue_dma source(%arg14 : memref<2x16xf32, #tpu.memory_space<vmem>>) target(%dma_start3A_640 : memref<2x16xf32, #tpu.memory_space<hbm>>) target_semaphore(%run_scoped3A : memref<!tpu.dma_semaphore, #tpu.memory_space<semaphore_mem>>)
      %dma_wait3A_641 = arith.constant 0 : i32
      %dma_wait3A_642 = arith.constant 0 : i32
      %dma_wait3A_643 = tpu.memref_slice %arg7[%add3A, %dma_wait3A_641, %dma_wait3A_642] : memref<32x2x16xf32, #tpu.memory_space<hbm>> -> memref<1x2x16xf32, #tpu.memory_space<hbm>>
      %dma_wait3A_644 = tpu.memref_squeeze %dma_wait3A_643 : memref<1x2x16xf32, #tpu.memory_space<hbm>> -> memref<2x16xf32, #tpu.memory_space<hbm>>
      %dma_wait3A_645 = arith.constant 0 : i32
      %dma_wait3A_646 = arith.constant 0 : i32
      %dma_wait3A_647 = tpu.memref_slice %arg7[%add3A, %dma_wait3A_645, %dma_wait3A_646] : memref<32x2x16xf32, #tpu.memory_space<hbm>> -> memref<1x2x16xf32, #tpu.memory_space<hbm>>
      %dma_wait3A_648 = tpu.memref_squeeze %dma_wait3A_647 : memref<1x2x16xf32, #tpu.memory_space<hbm>> -> memref<2x16xf32, #tpu.memory_space<hbm>>
      tpu.wait_dma2 semaphore(%run_scoped3A : memref<!tpu.dma_semaphore, #tpu.memory_space<semaphore_mem>>) src(%arg14 : memref<2x16xf32, #tpu.memory_space<vmem>>) dst(%dma_wait3A_648 : memref<2x16xf32, #tpu.memory_space<hbm>>)
      tpu.yield
    }) : () -> ()
    return
  }
}

module attributes {stable_mosaic.version = 14 : i64} {
  func.func @_tc_kernel(%arg0: i32, %arg1: i32, %arg2: memref<1x1x1x1024xf32, #tpu.memory_space<vmem>>, %arg3: memref<1x1x1x1024xf32, #tpu.memory_space<vmem>>, %arg4: memref<1x1x1x1024xf32, #tpu.memory_space<vmem>>, %arg5: memref<1x1x1x1024xf32, #tpu.memory_space<vmem>>, %arg6: memref<1x2048x1xf32, #tpu.memory_space<vmem>>, %arg7: memref<1x2048x1xf32, #tpu.memory_space<vmem>>, %arg8: memref<1x2048x1xf32, #tpu.memory_space<vmem>>, %arg9: memref<1x2048x1xi32, #tpu.memory_space<vmem>>, %arg10: memref<1x1x1x1024xf32, #tpu.memory_space<vmem>>, %arg11: memref<1x8x128xf32, #tpu.memory_space<vmem>>, %arg12: memref<2048x1xf32, #tpu.memory_space<vmem>>, %arg13: memref<2048x1xi32, #tpu.memory_space<vmem>>) attributes {dimension_semantics = [#tpu.dimension_semantics<arbitrary>, #tpu.dimension_semantics<arbitrary>], iteration_bounds = array<i64: 4, 20>, scalar_prefetch = 0 : i64, scratch_operands = 2 : i64, tpu.core_type = #tpu.core_type<tc>, window_params = [{transform_indices = @transform_0, window_bounds = array<i64: 1, 1, 1, 1024>}, {transform_indices = @transform_1, window_bounds = array<i64: 1, 1, 1, 1024>}, {transform_indices = @transform_2, window_bounds = array<i64: 1, 1, 1, 1024>}, {transform_indices = @transform_3, window_bounds = array<i64: 1, 1, 1, 1024>}, {transform_indices = @transform_4, window_bounds = array<i64: 1, 2048, 1>}, {transform_indices = @transform_5, window_bounds = array<i64: 1, 2048, 1>}, {transform_indices = @transform_6, window_bounds = array<i64: 1, 2048, 1>}, {transform_indices = @transform_7, window_bounds = array<i64: 1, 2048, 1>}, {transform_indices = @transform_8, window_bounds = array<i64: 1, 1, 1, 1024>}, {transform_indices = @transform_9, window_bounds = array<i64: 1, 8, 128>}]} {
    %get3A = arith.constant 0 : index
    %get3A_0 = arith.constant 0 : index
    %get3A_1 = arith.constant 0 : index
    %get3A_2 = arith.constant 0 : index
    %get3A_3 = vector.load %arg2[%get3A, %get3A_0, %get3A_1, %get3A_2] : memref<1x1x1x1024xf32, #tpu.memory_space<vmem>>, vector<1x1x1x1024xf32>
    %get3A_4 = vector.shape_cast %get3A_3 : vector<1x1x1x1024xf32> to vector<1x1024xf32>
    %get3A_5 = arith.constant 0 : index
    %get3A_6 = arith.constant 0 : index
    %get3A_7 = arith.constant 0 : index
    %get3A_8 = arith.constant 0 : index
    %get3A_9 = vector.load %arg3[%get3A_5, %get3A_6, %get3A_7, %get3A_8] : memref<1x1x1x1024xf32, #tpu.memory_space<vmem>>, vector<1x1x1x1024xf32>
    %get3A_10 = vector.shape_cast %get3A_9 : vector<1x1x1x1024xf32> to vector<1x1024xf32>
    %get3A_11 = arith.constant 0 : index
    %get3A_12 = arith.constant 0 : index
    %get3A_13 = arith.constant 0 : index
    %get3A_14 = arith.constant 0 : index
    %get3A_15 = vector.load %arg4[%get3A_11, %get3A_12, %get3A_13, %get3A_14] : memref<1x1x1x1024xf32, #tpu.memory_space<vmem>>, vector<1x1x1x1024xf32>
    %get3A_16 = vector.shape_cast %get3A_15 : vector<1x1x1x1024xf32> to vector<1x1024xf32>
    %get3A_17 = arith.constant 0 : index
    %get3A_18 = arith.constant 0 : index
    %get3A_19 = arith.constant 0 : index
    %get3A_20 = vector.load %arg6[%get3A_17, %get3A_18, %get3A_19] : memref<1x2048x1xf32, #tpu.memory_space<vmem>>, vector<1x2048x1xf32>
    %get3A_21 = vector.shape_cast %get3A_20 : vector<1x2048x1xf32> to vector<2048x1xf32>
    %get3A_22 = arith.constant 0 : index
    %get3A_23 = arith.constant 0 : index
    %get3A_24 = arith.constant 0 : index
    %get3A_25 = vector.load %arg7[%get3A_22, %get3A_23, %get3A_24] : memref<1x2048x1xf32, #tpu.memory_space<vmem>>, vector<1x2048x1xf32>
    %get3A_26 = vector.shape_cast %get3A_25 : vector<1x2048x1xf32> to vector<2048x1xf32>
    %get3A_27 = arith.constant 0 : index
    %get3A_28 = arith.constant 0 : index
    %get3A_29 = arith.constant 0 : index
    %get3A_30 = vector.load %arg8[%get3A_27, %get3A_28, %get3A_29] : memref<1x2048x1xf32, #tpu.memory_space<vmem>>, vector<1x2048x1xf32>
    %get3A_31 = vector.shape_cast %get3A_30 : vector<1x2048x1xf32> to vector<2048x1xf32>
    %sub3A = vector.broadcast %get3A_21 : vector<2048x1xf32> to vector<2048x1024xf32>
    %sub3A_32 = vector.broadcast %get3A_4 : vector<1x1024xf32> to vector<2048x1024xf32>
    %sub3A_33 = arith.subf %sub3A, %sub3A_32 : vector<2048x1024xf32>
    %sub3A_34 = vector.broadcast %get3A_26 : vector<2048x1xf32> to vector<2048x1024xf32>
    %sub3A_35 = vector.broadcast %get3A_10 : vector<1x1024xf32> to vector<2048x1024xf32>
    %sub3A_36 = arith.subf %sub3A_34, %sub3A_35 : vector<2048x1024xf32>
    %mul3A = arith.mulf %sub3A_33, %sub3A_33 : vector<2048x1024xf32>
    %mul3A_37 = arith.mulf %sub3A_36, %sub3A_36 : vector<2048x1024xf32>
    %add3A = arith.addf %mul3A, %mul3A_37 : vector<2048x1024xf32>
    %reduce_min3A = arith.constant dense<0x7F800000> : vector<1024xf32>
    %reduce_min3A_38 = vector.multi_reduction <minimumf>, %add3A, %reduce_min3A [0] : vector<2048x1024xf32> to vector<1024xf32>
    %broadcast_in_dim3A = vector.shape_cast %reduce_min3A_38 : vector<1024xf32> to vector<1x1024xf32>
    %add3A_39 = arith.constant 9.99999996E-13 : f32
    %add3A_40 = vector.broadcast %add3A_39 : f32 to vector<1x1024xf32>
    %add3A_41 = arith.addf %broadcast_in_dim3A, %add3A_40 : vector<1x1024xf32>
    %sqrt3A = math.sqrt %add3A_41 : vector<1x1024xf32>
    %mul3A_42 = arith.constant 4.000000e-01 : f32
    %mul3A_43 = vector.broadcast %mul3A_42 : f32 to vector<1x1024xf32>
    %mul3A_44 = arith.mulf %sqrt3A, %mul3A_43 : vector<1x1024xf32>
    %neg3A = arith.constant 0.000000e+00 : f32
    %neg3A_45 = vector.broadcast %neg3A : f32 to vector<1x1024xf32>
    %neg3A_46 = arith.subf %neg3A_45, %mul3A_44 : vector<1x1024xf32>
    %exp3A = math.exp %neg3A_46 : vector<1x1024xf32>
    %mul3A_47 = arith.constant 2.000000e+00 : f32
    %mul3A_48 = vector.broadcast %mul3A_47 : f32 to vector<1x1024xf32>
    %mul3A_49 = arith.mulf %mul3A_48, %exp3A : vector<1x1024xf32>
    %add3A_50 = arith.constant 1.000000e+00 : f32
    %add3A_51 = vector.broadcast %add3A_50 : f32 to vector<1x1024xf32>
    %add3A_52 = arith.addf %add3A_51, %exp3A : vector<1x1024xf32>
    %div3A = arith.divf %mul3A_49, %add3A_52 : vector<1x1024xf32>
    %swap3A = arith.constant 0 : index
    %swap3A_53 = arith.constant 0 : index
    %swap3A_54 = arith.constant 0 : index
    %swap3A_55 = arith.constant 0 : index
    %swap3A_56 = vector.load %arg10[%swap3A, %swap3A_53, %swap3A_54, %swap3A_55] : memref<1x1x1x1024xf32, #tpu.memory_space<vmem>>, vector<1x1x1x1024xf32>
    %swap3A_57 = vector.shape_cast %swap3A_56 : vector<1x1x1x1024xf32> to vector<1x1024xf32>
    %swap3A_58 = vector.shape_cast %div3A : vector<1x1024xf32> to vector<1x1x1x1024xf32>
    tpu.vector_store %arg10[%swap3A, %swap3A_53, %swap3A_54, %swap3A_55], %swap3A_58 {strides = array<i32>} : memref<1x1x1x1024xf32, #tpu.memory_space<vmem>>, vector<1x1x1x1024xf32>,
    %get3A_59 = arith.constant 0 : index
    %get3A_60 = arith.constant 0 : index
    %get3A_61 = arith.constant 0 : index
    %get3A_62 = arith.constant 0 : index
    %get3A_63 = vector.load %arg5[%get3A_59, %get3A_60, %get3A_61, %get3A_62] : memref<1x1x1x1024xf32, #tpu.memory_space<vmem>>, vector<1x1x1x1024xf32>
    %get3A_64 = vector.shape_cast %get3A_63 : vector<1x1x1x1024xf32> to vector<1x1024xf32>
    %iota3A = tpu.iota {dimensions = array<i32: 1>} : vector<1x1024xi32>
    %mul3A_65 = arith.constant 1024 : i32
    %mul3A_66 = arith.muli %arg1, %mul3A_65 : i32
    %add3A_67 = vector.broadcast %mul3A_66 : i32 to vector<1x1024xi32>
    %add3A_68 = arith.addi %add3A_67, %iota3A : vector<1x1024xi32>
    %lt3A = arith.constant 20000 : i32
    %lt3A_69 = vector.broadcast %lt3A : i32 to vector<1x1024xi32>
    %lt3A_70 = arith.cmpi slt, %add3A_68, %lt3A_69 : vector<1x1024xi32>
    %max3A = arith.constant 0.000000e+00 : f32
    %max3A_71 = vector.broadcast %max3A : f32 to vector<1x1024xf32>
    %max3A_72 = arith.maximumf %get3A_64, %max3A_71 : vector<1x1024xf32>
    %abs3A = math.absf %get3A_64 : vector<1x1024xf32>
    %neg3A_73 = arith.constant 0.000000e+00 : f32
    %neg3A_74 = vector.broadcast %neg3A_73 : f32 to vector<1x1024xf32>
    %neg3A_75 = arith.subf %neg3A_74, %abs3A : vector<1x1024xf32>
    %exp3A_76 = math.exp %neg3A_75 : vector<1x1024xf32>
    %log1p3A = math.log1p %exp3A_76 : vector<1x1024xf32>
    %add3A_77 = arith.addf %max3A_72, %log1p3A : vector<1x1024xf32>
    %jit3A = arith.constant 0.000000e+00 : f32
    %broadcast_in_dim3A_78 = vector.broadcast %jit3A : f32 to vector<1x1024xf32>
    %select_n3A = arith.select %lt3A_70, %add3A_77, %broadcast_in_dim3A_78 : vector<1x1024xi1>, vector<1x1024xf32>
    %reduce_sum3A = vector.shape_cast %select_n3A : vector<1x1024xf32> to vector<1x1x1024xf32>
    %reduce_sum3A_79 = arith.constant dense<0.000000e+00> : vector<1xf32>
    %reduce_sum3A_80 = vector.multi_reduction <add>, %reduce_sum3A, %reduce_sum3A_79 [1, 2] : vector<1x1x1024xf32> to vector<1xf32>
    %reduce_sum3A_81 = vector.shape_cast %reduce_sum3A_80 : vector<1xf32> to vector<1x1x1xf32>
    %reduce_sum3A_82 = vector.extract %reduce_sum3A_81[0, 0, 0] : f32 from vector<1x1x1xf32>
    %eq3A = vector.broadcast %get3A_31 : vector<2048x1xf32> to vector<2048x1024xf32>
    %eq3A_83 = vector.broadcast %get3A_16 : vector<1x1024xf32> to vector<2048x1024xf32>
    %eq3A_84 = arith.cmpf oeq, %eq3A, %eq3A_83 : vector<2048x1024xf32>
    %jit3A_85 = arith.constant 0x7F800000 : f32
    %broadcast_in_dim3A_86 = vector.broadcast %jit3A_85 : f32 to vector<2048x1024xf32>
    %select_n3A_87 = arith.select %eq3A_84, %add3A, %broadcast_in_dim3A_86 : vector<2048x1024xi1>, vector<2048x1024xf32>
    %iota3A_88 = tpu.iota {dimensions = array<i32: 1>} : vector<2048x1024xi32>
    %bitcast_convert_type3A = tpu.bitcast %select_n3A_87 : vector<2048x1024xf32> -> vector<2048x1024xi32>
    %and3A = arith.constant -1024 : i32
    %and3A_89 = vector.broadcast %and3A : i32 to vector<2048x1024xi32>
    %and3A_90 = arith.andi %bitcast_convert_type3A, %and3A_89 : vector<2048x1024xi32>
    %or3A = arith.ori %and3A_90, %iota3A_88 : vector<2048x1024xi32>
    %reduce_min3A_91 = arith.constant dense<2147483647> : vector<2048xi32>
    %reduce_min3A_92 = vector.multi_reduction <minsi>, %or3A, %reduce_min3A_91 [1] : vector<2048x1024xi32> to vector<2048xi32>
    %broadcast_in_dim3A_93 = vector.shape_cast %reduce_min3A_92 : vector<2048xi32> to vector<2048x1xi32>
    %and3A_94 = arith.constant 1023 : i32
    %and3A_95 = vector.broadcast %and3A_94 : i32 to vector<2048x1xi32>
    %and3A_96 = arith.andi %broadcast_in_dim3A_93, %and3A_95 : vector<2048x1xi32>
    %and3A_97 = arith.constant -1024 : i32
    %and3A_98 = vector.broadcast %and3A_97 : i32 to vector<2048x1xi32>
    %and3A_99 = arith.andi %broadcast_in_dim3A_93, %and3A_98 : vector<2048x1xi32>
    %bitcast_convert_type3A_100 = tpu.bitcast %and3A_99 : vector<2048x1xi32> -> vector<2048x1xf32>
    %mul3A_101 = arith.constant 1024 : i32
    %mul3A_102 = arith.muli %arg1, %mul3A_101 : i32
    %add3A_103 = vector.broadcast %mul3A_102 : i32 to vector<2048x1xi32>
    %add3A_104 = arith.addi %add3A_103, %and3A_96 : vector<2048x1xi32>
    %eq3A_105 = arith.constant 0 : i32
    %eq3A_106 = arith.cmpi eq, %arg1, %eq3A_105 : i32
    %convert_element_type3A = arith.extui %eq3A_106 : i1 to i32
    %cond3A = arith.constant 0 : i32
    %cond3A_107 = arith.cmpi ne, %convert_element_type3A, %cond3A : i32
    scf.if %cond3A_107 {
      %swap3A_117 = arith.constant 0 : index
      %swap3A_118 = arith.constant 0 : index
      %swap3A_119 = vector.load %arg12[%swap3A_117, %swap3A_118] : memref<2048x1xf32, #tpu.memory_space<vmem>>, vector<2048x1xf32>
      tpu.vector_store %arg12[%swap3A_117, %swap3A_118], %bitcast_convert_type3A_100 {strides = array<i32>} : memref<2048x1xf32, #tpu.memory_space<vmem>>, vector<2048x1xf32>,
      %swap3A_120 = arith.constant 0 : index
      %swap3A_121 = arith.constant 0 : index
      %swap3A_122 = vector.load %arg13[%swap3A_120, %swap3A_121] : memref<2048x1xi32, #tpu.memory_space<vmem>>, vector<2048x1xi32>
      tpu.vector_store %arg13[%swap3A_120, %swap3A_121], %add3A_104 {strides = array<i32>} : memref<2048x1xi32, #tpu.memory_space<vmem>>, vector<2048x1xi32>,
      %broadcast_in_dim3A_123 = vector.broadcast %reduce_sum3A_82 : f32 to vector<1x8x128xf32>
      %swap3A_124 = arith.constant 0 : index
      %swap3A_125 = arith.constant 0 : index
      %swap3A_126 = arith.constant 0 : index
      %swap3A_127 = vector.load %arg11[%swap3A_124, %swap3A_125, %swap3A_126] : memref<1x8x128xf32, #tpu.memory_space<vmem>>, vector<1x8x128xf32>
      tpu.vector_store %arg11[%swap3A_124, %swap3A_125, %swap3A_126], %broadcast_in_dim3A_123 {strides = array<i32>} : memref<1x8x128xf32, #tpu.memory_space<vmem>>, vector<1x8x128xf32>,
    } else {
    }
    %gt3A = arith.constant 0 : i32
    %gt3A_108 = arith.cmpi sgt, %arg1, %gt3A : i32
    %convert_element_type3A_109 = arith.extui %gt3A_108 : i1 to i32
    %cond3A_110 = arith.constant 0 : i32
    %cond3A_111 = arith.cmpi ne, %convert_element_type3A_109, %cond3A_110 : i32
    scf.if %cond3A_111 {
      %get3A_117 = arith.constant 0 : index
      %get3A_118 = arith.constant 0 : index
      %get3A_119 = vector.load %arg12[%get3A_117, %get3A_118] : memref<2048x1xf32, #tpu.memory_space<vmem>>, vector<2048x1xf32>
      %lt3A_120 = arith.cmpf olt, %bitcast_convert_type3A_100, %get3A_119 : vector<2048x1xf32>
      %get3A_121 = arith.constant 0 : index
      %get3A_122 = arith.constant 0 : index
      %get3A_123 = vector.load %arg12[%get3A_121, %get3A_122] : memref<2048x1xf32, #tpu.memory_space<vmem>>, vector<2048x1xf32>
      %select_n3A_124 = arith.select %lt3A_120, %bitcast_convert_type3A_100, %get3A_123 : vector<2048x1xi1>, vector<2048x1xf32>
      %swap3A_125 = arith.constant 0 : index
      %swap3A_126 = arith.constant 0 : index
      %swap3A_127 = vector.load %arg12[%swap3A_125, %swap3A_126] : memref<2048x1xf32, #tpu.memory_space<vmem>>, vector<2048x1xf32>
      tpu.vector_store %arg12[%swap3A_125, %swap3A_126], %select_n3A_124 {strides = array<i32>} : memref<2048x1xf32, #tpu.memory_space<vmem>>, vector<2048x1xf32>,
      %get3A_128 = arith.constant 0 : index
      %get3A_129 = arith.constant 0 : index
      %get3A_130 = vector.load %arg13[%get3A_128, %get3A_129] : memref<2048x1xi32, #tpu.memory_space<vmem>>, vector<2048x1xi32>
      %select_n3A_131 = arith.select %lt3A_120, %add3A_104, %get3A_130 : vector<2048x1xi1>, vector<2048x1xi32>
      %swap3A_132 = arith.constant 0 : index
      %swap3A_133 = arith.constant 0 : index
      %swap3A_134 = vector.load %arg13[%swap3A_132, %swap3A_133] : memref<2048x1xi32, #tpu.memory_space<vmem>>, vector<2048x1xi32>
      tpu.vector_store %arg13[%swap3A_132, %swap3A_133], %select_n3A_131 {strides = array<i32>} : memref<2048x1xi32, #tpu.memory_space<vmem>>, vector<2048x1xi32>,
      %get3A_135 = arith.constant 0 : index
      %get3A_136 = arith.constant 0 : index
      %get3A_137 = arith.constant 0 : index
      %get3A_138 = vector.load %arg11[%get3A_135, %get3A_136, %get3A_137] : memref<1x8x128xf32, #tpu.memory_space<vmem>>, vector<1x8x128xf32>
      %add3A_139 = vector.broadcast %reduce_sum3A_82 : f32 to vector<1x8x128xf32>
      %add3A_140 = arith.addf %get3A_138, %add3A_139 : vector<1x8x128xf32>
      %swap3A_141 = arith.constant 0 : index
      %swap3A_142 = arith.constant 0 : index
      %swap3A_143 = arith.constant 0 : index
      %swap3A_144 = vector.load %arg11[%swap3A_141, %swap3A_142, %swap3A_143] : memref<1x8x128xf32, #tpu.memory_space<vmem>>, vector<1x8x128xf32>
      tpu.vector_store %arg11[%swap3A_141, %swap3A_142, %swap3A_143], %add3A_140 {strides = array<i32>} : memref<1x8x128xf32, #tpu.memory_space<vmem>>, vector<1x8x128xf32>,
    } else {
    }
    %eq3A_112 = arith.constant 19 : i32
    %eq3A_113 = arith.cmpi eq, %arg1, %eq3A_112 : i32
    %convert_element_type3A_114 = arith.extui %eq3A_113 : i1 to i32
    %cond3A_115 = arith.constant 0 : i32
    %cond3A_116 = arith.cmpi ne, %convert_element_type3A_114, %cond3A_115 : i32
    scf.if %cond3A_116 {
      %get3A_117 = arith.constant 0 : index
      %get3A_118 = arith.constant 0 : index
      %get3A_119 = vector.load %arg12[%get3A_117, %get3A_118] : memref<2048x1xf32, #tpu.memory_space<vmem>>, vector<2048x1xf32>
      %le3A = arith.constant 7.54343081 : f32
      %le3A_120 = vector.broadcast %le3A : f32 to vector<2048x1xf32>
      %le3A_121 = arith.cmpf ole, %get3A_119, %le3A_120 : vector<2048x1xf32>
      %get3A_122 = arith.constant 0 : index
      %get3A_123 = arith.constant 0 : index
      %get3A_124 = vector.load %arg13[%get3A_122, %get3A_123] : memref<2048x1xi32, #tpu.memory_space<vmem>>, vector<2048x1xi32>
      %jit3A_125 = arith.constant 20479 : i32
      %broadcast_in_dim3A_126 = vector.broadcast %jit3A_125 : i32 to vector<2048x1xi32>
      %select_n3A_127 = arith.select %le3A_121, %get3A_124, %broadcast_in_dim3A_126 : vector<2048x1xi1>, vector<2048x1xi32>
      %swap3A_128 = arith.constant 0 : index
      %swap3A_129 = arith.constant 0 : index
      %swap3A_130 = arith.constant 0 : index
      %swap3A_131 = vector.load %arg9[%swap3A_128, %swap3A_129, %swap3A_130] : memref<1x2048x1xi32, #tpu.memory_space<vmem>>, vector<1x2048x1xi32>
      %swap3A_132 = vector.shape_cast %swap3A_131 : vector<1x2048x1xi32> to vector<2048x1xi32>
      %swap3A_133 = vector.shape_cast %select_n3A_127 : vector<2048x1xi32> to vector<1x2048x1xi32>
      tpu.vector_store %arg9[%swap3A_128, %swap3A_129, %swap3A_130], %swap3A_133 {strides = array<i32>} : memref<1x2048x1xi32, #tpu.memory_space<vmem>>, vector<1x2048x1xi32>,
    } else {
    }
    return
  }
  func.func @transform_0(%arg0: i32, %arg1: i32) -> (i32, i32, i32, i32) {
    %c0_i32 = arith.constant 0 : i32
    %c0_i32_0 = arith.constant 0 : i32
    %c0_i32_1 = arith.constant 0 : i32
    return %arg0, %arg1, %c0_i32, %c0_i32_0 : i32, i32, i32, i32
  }
  func.func @transform_1(%arg0: i32, %arg1: i32) -> (i32, i32, i32, i32) {
    %c0_i32 = arith.constant 0 : i32
    %c0_i32_0 = arith.constant 0 : i32
    %c0_i32_1 = arith.constant 0 : i32
    return %arg0, %arg1, %c0_i32, %c0_i32_0 : i32, i32, i32, i32
  }
  func.func @transform_2(%arg0: i32, %arg1: i32) -> (i32, i32, i32, i32) {
    %c0_i32 = arith.constant 0 : i32
    %c0_i32_0 = arith.constant 0 : i32
    %c0_i32_1 = arith.constant 0 : i32
    return %arg0, %arg1, %c0_i32, %c0_i32_0 : i32, i32, i32, i32
  }
  func.func @transform_3(%arg0: i32, %arg1: i32) -> (i32, i32, i32, i32) {
    %c0_i32 = arith.constant 0 : i32
    %c0_i32_0 = arith.constant 0 : i32
    %c0_i32_1 = arith.constant 0 : i32
    return %arg0, %arg1, %c0_i32, %c0_i32_0 : i32, i32, i32, i32
  }
  func.func @transform_4(%arg0: i32, %arg1: i32) -> (i32, i32, i32) {
    %c0_i32 = arith.constant 0 : i32
    %c0_i32_0 = arith.constant 0 : i32
    %c0_i32_1 = arith.constant 0 : i32
    return %arg0, %c0_i32, %c0_i32_0 : i32, i32, i32
  }
  func.func @transform_5(%arg0: i32, %arg1: i32) -> (i32, i32, i32) {
    %c0_i32 = arith.constant 0 : i32
    %c0_i32_0 = arith.constant 0 : i32
    %c0_i32_1 = arith.constant 0 : i32
    return %arg0, %c0_i32, %c0_i32_0 : i32, i32, i32
  }
  func.func @transform_6(%arg0: i32, %arg1: i32) -> (i32, i32, i32) {
    %c0_i32 = arith.constant 0 : i32
    %c0_i32_0 = arith.constant 0 : i32
    %c0_i32_1 = arith.constant 0 : i32
    return %arg0, %c0_i32, %c0_i32_0 : i32, i32, i32
  }
  func.func @transform_7(%arg0: i32, %arg1: i32) -> (i32, i32, i32) {
    %c0_i32 = arith.constant 0 : i32
    %c0_i32_0 = arith.constant 0 : i32
    %c0_i32_1 = arith.constant 0 : i32
    return %arg0, %c0_i32, %c0_i32_0 : i32, i32, i32
  }
  func.func @transform_8(%arg0: i32, %arg1: i32) -> (i32, i32, i32, i32) {
    %c0_i32 = arith.constant 0 : i32
    %c0_i32_0 = arith.constant 0 : i32
    %c0_i32_1 = arith.constant 0 : i32
    return %arg0, %arg1, %c0_i32, %c0_i32_0 : i32, i32, i32, i32
  }
  func.func @transform_9(%arg0: i32, %arg1: i32) -> (i32, i32, i32) {
    %c0_i32 = arith.constant 0 : i32
    %c0_i32_0 = arith.constant 0 : i32
    %c0_i32_1 = arith.constant 0 : i32
    return %arg0, %c0_i32, %c0_i32_0 : i32, i32, i32
  }
}

</mosaic_0001>

<sc_bundles>
// kernel: kernel.4.cloned.1.call-start
scs
__scs_entry_jumppad:
0x0: {  	(pc) =	sbr.rel $0x88, $3  }
0x1: {  	(tag) =	ssettag $0x0;
	lr =	simm.s32 $0x1  }
0x2: {  	[smem:$0x3F9F] =	sst lr;
	_ =	strace $0xD0000000  }
0x3: {  	_ = 	snop  }
0x4: {  	_ = 	snop  }
0x5: {  	_ = 	snop  }
0x6: {  	_ = 	snop  }
0x7: {  	_ = 	snop  }
__scs_overlays_trampoline_lowered:
0x8: {  	[smem:$0x3FAE] =	sst s0  }
0x9: {  	[smem:$0x3FAF] =	sst s1  }
0xa: {  	[smem:$0x3FB0] =	sst s2  }
0xb: {  	[smem:$0x3FB1] =	sst s3  }
0xc: {  	[smem:$0x3FB2] =	sst s4  }
0xd: {  	[smem:$0x3FB3] =	sst s5  }
0xe: {  	[smem:$0x3FB4] =	sst s6  }
0xf: {  	[smem:$0x3FB5] =	sst s7  }
0x10: {  	[smem:$0x3FB6] =	sst s8  }
0x11: {  	[smem:$0x3FB7] =	sst s9;
	s0 =	simm.s32 @!p0 $0x0  }
0x12: {  	s1 =	sld [smem:$0x3F9D];
	s0 =	simm.s32 @p0 $0x1  }
0x13: {  	[smem:$0x3FB8] =	sst s0;
	s0 =	simm.s32 @!p1 $0x0  }
0x14: {  	s2 =	sld [smem:$0x3F9C];
	s0 =	simm.s32 @p1 $0x1  }
0x15: {  	[smem:$0x3FB9] =	sst s0;
	s0 =	simm.s32 @!p2 $0x0  }
0x16: {  	s3 =	sld [smem:$0x3FDB];
	s0 =	simm.s32 @p2 $0x1  }
0x17: {  	s4 =	simm.s32 $0x1BF5;
	[smem:$0x3FBB] =	sst s0  }
0x18: {  	s0 =	sld [smem:$0x3F9E];
	_ =	swait.ge [sflag:s4], $0x0  }
0x19: {  	s7 =	sld [smem:$0x3F9F]  }
0x1a: {  	s8 =	sadd.s32 $0xFFFFE003, lr  }
0x1b: {  	s9 =	sadd.s32 $0xFFFFFEF7, lr;
	s5 =	simm.s32 $0xFFFFFFFF;
	p2 =	slt.u32 s8, $0xFFFFF086  }
0x1c: {  	p1 =	slt.u32 s9, $0xF7A;
	s5 =	simm.s32 @!p2 $0x0  }
0x1d: {  	s5 =	simm.s32 @p1 $0x1;
	p0 =	seq.s32 s7, s2  }
0x1e: {  	s7 =	smul.u32 @!p0 $0xF7A, s2;
	p2 =	seq.s32 @!p0 s5, $0x0  }
0x1f: {  	s9 =	smul.u32 $0xF7A, s1;
	s8 =	simm.s32 @!p0 $0x1BF5;
	p2 =	por !p2, p0  }
0x20: {  	[sflag:s8] =	ssyncset.s32 @!p0 $0xFFFFF086;
	s6 =	sadd.s32 @!p0 s3, s7;
	s7 =	simm.s32 @!p0 $0x108  }
0x21: {  	s3 =	sadd.s32 s3, s9;
	s6 =	sadd.s32 @!p0 $0x88, s6;
	s7 =	simm.s32 @p2 $0x1082  }
0x22: {  	[simem:s7], [sflag:s8] =	dma.local @!p0 [hbm:s6], $0xF7A  }
0x23: {  	s9 =	sor.u32 $0xD0000000, s2;
	s6 =	simm.s32 $0x108;
	_ =	swait.ge @!p0 [sflag:s8], $0x0  }
0x24: {  	s3 =	sadd.s32 $0x88, s3;
	s6 =	simm.s32 @!p1 $0x1082;
	[sflag:s4] =	ssyncset.s32 $0xFFFFF086  }
0x25: {  	[simem:s6], [sflag:s4] =	dma.local [hbm:s3], $0xF7A  }
0x26: {  	[smem:$0x3F9F] =	sst s1;
	(tag) =	ssettag s2;
	_ =	strace s9  }
0x27: {  	s1 =	sld [smem:$0x3FAF]  }
0x28: {  	s2 =	sld [smem:$0x3FB0]  }
0x29: {  	s4 =	sld [smem:$0x3FB2]  }
0x2a: {  	p0 =	seq.s32 s5, $0x0;
	s5 =	sld [smem:$0x3FB3]  }
0x2b: {  	s6 =	sld [smem:$0x3FB4]  }
0x2c: {  	s7 =	sld [smem:$0x3FB5]  }
0x2d: {  	s3 =	simm.s32 $0x108;
	s8 =	sld [smem:$0x3FB6]  }
0x2e: {  	s3 =	simm.s32 @!p0 $0x1082;
	s9 =	sld [smem:$0x3FB7]  }
0x2f: {  	lr =	sadd.s32 s0, s3;
	s0 =	sld [smem:$0x3FAE]  }
0x30: {  	s3 =	sld [smem:$0x3FB1]  }
0x31: {  	[smem:$0x3FBA] =	sst s10  }
0x32: {  	s10 =	sld [smem:$0x3FB8];
	_ =	sdelay $0x3  }
0x33: {  	p0 =	seq.s32 s10, $0x1;
	s10 =	sld [smem:$0x3FBA];
	_ =	sdelay $0x3  }
0x34: {  	[smem:$0x3FBA] =	sst s10  }
0x35: {  	s10 =	sld [smem:$0x3FB9];
	_ =	sdelay $0x3  }
0x36: {  	p1 =	seq.s32 s10, $0x1;
	s10 =	sld [smem:$0x3FBA];
	_ =	sdelay $0x3  }
0x37: {  	[smem:$0x3FBA] =	sst s10  }
0x38: {  	s10 =	sld [smem:$0x3FBB]  }
0x39: {  	_ = 	snop;
	(pc) =	sbr.ind lr, $3  }
0x3a: {  	_ = 	snop  }
0x3b: {  	_ = 	snop  }
0x3c: {  	p2 =	seq.s32 s10, $0x1;
	s10 =	sld [smem:$0x3FBA]  }
0x3d: {  	_ =	shalt  }
0x3e: {  	_ =	shalt  }
0x3f: {  	_ =	shalt  }
0x40: {  	_ =	shalt  }
0x41: {  	_ =	shalt  }
0x42: {  	_ =	shalt  }
0x43: {  	_ =	shalt  }
0x44: {  	_ =	shalt  }
0x45: {  	_ =	shalt  }
0x46: {  	_ =	shalt  }
0x47: {  	_ =	shalt  }
0x48: {  	_ =	shalt  }
0x49: {  	_ =	shalt  }
0x4a: {  	_ =	shalt  }
0x4b: {  	_ =	shalt  }
0x4c: {  	_ =	shalt  }
0x4d: {  	_ =	shalt  }
0x4e: {  	_ =	shalt  }
0x4f: {  	_ =	shalt  }
0x50: {  	_ =	shalt  }
0x51: {  	_ =	shalt  }
0x52: {  	_ =	shalt  }
0x53: {  	_ =	shalt  }
0x54: {  	_ =	shalt  }
0x55: {  	_ =	shalt  }
0x56: {  	_ =	shalt  }
0x57: {  	_ =	shalt  }
0x58: {  	_ =	shalt  }
0x59: {  	_ =	shalt  }
0x5a: {  	_ =	shalt  }
0x5b: {  	_ =	shalt  }
0x5c: {  	_ =	shalt  }
0x5d: {  	_ =	shalt  }
0x5e: {  	_ =	shalt  }
0x5f: {  	_ =	shalt  }
0x60: {  	_ =	shalt  }
0x61: {  	_ =	shalt  }
0x62: {  	_ =	shalt  }
0x63: {  	_ =	shalt  }
0x64: {  	_ =	shalt  }
0x65: {  	_ =	shalt  }
0x66: {  	_ =	shalt  }
0x67: {  	_ =	shalt  }
0x68: {  	_ =	shalt  }
0x69: {  	_ =	shalt  }
0x6a: {  	_ =	shalt  }
0x6b: {  	_ =	shalt  }
0x6c: {  	_ =	shalt  }
0x6d: {  	_ =	shalt  }
0x6e: {  	_ =	shalt  }
0x6f: {  	_ =	shalt  }
0x70: {  	_ =	shalt  }
0x71: {  	_ =	shalt  }
0x72: {  	_ =	shalt  }
0x73: {  	_ =	shalt  }
0x74: {  	_ =	shalt  }
0x75: {  	_ =	shalt  }
0x76: {  	_ =	shalt  }
0x77: {  	_ =	shalt  }
0x78: {  	_ =	shalt  }
0x79: {  	_ =	shalt  }
0x7a: {  	_ =	shalt  }
0x7b: {  	_ =	shalt  }
0x7c: {  	_ =	shalt  }
0x7d: {  	_ =	shalt  }
0x7e: {  	_ =	shalt  }
0x7f: {  	_ =	shalt  }
0x80: {  	_ =	shalt  }
0x81: {  	_ =	shalt  }
0x82: {  	_ =	shalt  }
0x83: {  	_ =	shalt  }
0x84: {  	_ =	shalt  }
0x85: {  	_ =	shalt  }
0x86: {  	_ =	shalt  }
0x87: {  	_ =	shalt  }
.Lfunc_end0:
.L_simem_size_0:
called_computation_lowered:
.L_overlay_start_0:
0x88: {  	s2 =	sld [smem:$0x3FD9]  }
0x89: {  	s3 =	sld [smem:$0x3FFE];
	_ =	sdelay $0x1  }
0x8a: {  	s1 =	srdreg.scid  }
0x8b: {  	s0 =	sand.u32 $0x1, s1  }
0x8c: {  	s16 =	sshll.u32 s0, $0xA;
	s2 =	sadd.s32 s3, s2  }
0x8d: {  	s2 =	sadd.s32 s2, s16  }
0x8e: {  	[smem:$0x3FC6] =	sst s2  }
0x8f: {  	_ = 	snop  }
0x90: {  	(tm) =	ssettm $0x1  }
0x91: {  	s17 =	sld [smem:$0x3FFB];
	_ =	sdelay $0x3  }
0x92: {  	_ =	strace s17  }
0x93: {  	s2 =	sld [smem:$0x3FFC];
	_ =	sdelay $0x3  }
0x94: {  	_ =	strace s2  }
0x95: {  	s2 =	sld [smem:$0x3FFD];
	_ =	sdelay $0x3  }
0x96: {  	_ =	strace s2  }
0x97: {  	_ =	strace $0x8FFFFFFF  }
0x98: {  	s18 =	sld [smem:$0x3FDB];
	_ =	sdelay $0x1  }
0x99: {  	s19 =	simm.s32 $_scs_section_size  }
0x9a: {  	s4 =	simm.s32 $_size__tile_overlayer_lowered;
	s5 =	simm.s32 $_tile_overlayer_lowered  }
0x9b: {  	s22 =	simm.s32 $0x1BFF;
	s21 =	sshll.u32 s5, $0x1;
	s2 =	sadd.s32 s19, s18  }
0x9c: {  	s6 =	simm.s32 $0x0;
	s20 =	sshll.u32 s4, $0x1;
	s4 =	sadd.s32 s21, s2  }
0x9d: {  	[timem:s6], [sflag:s22] =	dma.local [hbm:s4], s20  }
0x9e: {  	_ =	swait.ge [sflag:s22], s20  }
0x9f: {  	s3 =	ssub.s32 $0x0, s20;
	[sflag:s22] =	ssyncset.done $0x0  }
0xa0: {  	[sflag:s22] =	ssyncadd.s32 s3;
	_ =	sdelay $0x1  }
0xa1: {  	s23 =	simm.s32 $0x1B8B  }
0xa2: {  	_ =	swait.ge [sflag:s23], $0x1  }
0xa3: {  	[sflag:s23] =	ssyncset.done $0x0  }
0xa4: {  	s25 =	simm.s32 $0x1B8E;
	s24 =	sld [smem:$0x3FFE];
	[sflag:s23] =	ssyncadd.s32 $0xFFFFFFFF  }
0xa5: {  	s26 =	simm.s32 $execute0_lowered;
	[smem:$0x3FD2] =	sst s25  }
0xa6: {  	s4 =	sshll.u32 s26, $0x1;
	_ =	strace $0x80000046;
	[dreg:$0x1] =	wrdreg $0xFFFFFFFF  }
0xa7: {  	s28 =	simm.s32 $_size_execute0_lowered;
	s2 =	sadd.s32 s2, s4;
	[dreg:$0x0] =	wrdreg $0x0  }
0xa8: {  	s4 =	sshll.u32 s28, $0x1;
	[dreg:$0x2] =	wrdreg s2  }
0xa9: {  	[dreg:$0x3] =	wrdreg s4  }
0xaa: {  	[dreg:$0x4] =	wrdreg $0xC0  }
0xab: {  	_ =	task [dreg:s6], $0x5FFFF  }
0xac: {  	[dreg:$0x1] =	wrdreg $0xFFFFFFFF  }
0xad: {  	[dreg:$0x0] =	wrdreg $0x60  }
0xae: {  	[dreg:$0x2] =	wrdreg s24  }
0xaf: {  	[dreg:$0x3] =	wrdreg $0x7000  }
0xb0: {  	[dreg:$0x4] =	wrdreg $0x9  }
0xb1: {  	_ =	task.clear_ibuf [dreg:s6], $0x5FFFF;
	_ =	strace $0x90000046  }
0xb2: {  	s29 =	simm.s32 $0x9;
	_ =	strace $0x80000048  }
0xb3: {  	_ =	swait.ge [sflag:s29], $0x1  }
0xb4: {  	[sflag:s29] =	ssyncadd.s32 $0xFFFFFFFF  }
0xb5: {  	_ =	strace $0x90000048  }
0xb6: {  	_ =	sfence  }
0xb7: {  	s30 =	sld [smem:$0x0];
	_ =	sdelay $0x2  }
0xb8: {  	s31 =	sshll.u32 s1, $0xD;
	s1 =	sshrl.u32 s1, $0x2  }
0xb9: {  	s3 =	sand.u32 $0x4000, s31;
	s1 =	sadd.s32 s1, s30  }
0xba: {  	s0 =	sor.u32 s3, s0;
	s1 =	sshll.u32 s1, $0x11  }
0xbb: {  	s0 =	sor.u32 s1, s0  }
0xbc: {  	s0 =	sadd.s32 $0x8F2B, s0  }
0xbd: {  	[sflag:s0] =	ssyncadd.remote.s32 $0x1  }
0xbe: {  	_ =	sfence.sel $0xFFFF  }
0xbf: {  	[dreg:$0x0] =	wrdreg $0xFFFFFFFF;
	(pc) =	sbr.abs _section_cstart, $3  }
0xc0: {  	[dreg:$0x1] =	wrdreg $0xFFFFFFFF  }
0xc1: {  	_ =	task.clear_ibuf [dreg:s6], $0x2FFFF;
	_ =	strace $0x9FFFFFFF  }
0xc2: {  	(tm) =	ssettm $0x7FFFFFFF  }
0xc3: {  	_ =	shalt  }
tec
execute0_lowered:
.L_overlay_start_1:
0x0: {  	(tag) =	ssettag $0x1  }
0x1: {  	s2 =	rddreg [dreg:$0x0]  }
0x2: {  	s3 =	rddreg [dreg:$0x1];
	s4 =	srdreg.scid  }
0x3: {  	s0 =	rddreg [dreg:$0x2];
	s1 =	stileid.u32;
	s11 =	simm.s32 $0x2  }
0x4: {  	s12 =	simm.s32 $0x100;
	s13 =	simm.s32 $0x200;
	s14 =	simm.s32 $0x80  }
0x5: {  	s15 =	simm.s32 $0x1;
	s16 =	simm.s32 $0x280;
	s17 =	simm.s32 $0x300  }
0x6: {  	s18 =	simm.s32 $0x400;
	s19 =	simm.s32 $0x500;
	s20 =	simm.s32 $0x380  }
0x7: {  	s21 =	simm.s32 $0x180;
	s22 =	simm.s32 $0x480;
	s23 =	simm.s32 $0x580  }
0x8: {  	s24 =	simm.s32 $0x600;
	s5 =	sand.u32 $0x1, s4;
	s4 =	simm.s32 $0x0  }
0x9: {  	s7 =	sshll.u32 s1, $0x5;
	s6 =	sshll.u32 s5, $0x9;
	[smem:$0x7FF] =	sst s4  }
0xa: {  	s30 =	ssub.s32 $0x2, s5;
	s5 =	sadd.s32 $0x2800, s2;
	s6 =	sor.u32 s7, s6  }
0xb: {  	_ =	strace $0x80000047;
	s31 =	sshrl.u32 s30, $0x1;
	s9 =	sadd.s32 s6, s2  }
0xc: {  	s10 =	ssub.s32 s30, s31;
	s6 =	sadd.s32 $0x5400, s9;
	s7 =	sadd.s32 $0x5000, s9  }
0xd: {  	s8 =	sadd.s32 $0x5800, s9;
	s9 =	sadd.s32 $0x5C00, s9;
	s10 =	smax.u32 s10, $0x1  }
.LBB2_1:
0xe: {  	[tilespmem:s4], [sflag:$0x2] =	stream.linear.gather [hbm4b:s6+s4], $0x100, $0x38;
	[tilespmem:$0x1100] =	vst v63  }
0xf: {  	_ =	swait.ge [sflag:s11], $0x100  }
0x10: {  	[sflag:s11] =	ssyncset.done $0x0  }
0x11: {  	[sflag:s11] =	ssyncadd.s32 $0xFFFFFF00  }
0x12: {  	[tilespmem:s12], [sflag:$0x2] =	stream.linear.gather [hbm4b:s7+s4], $0x100, $0x38;
	[tilespmem:$0x1100] =	vst v63  }
0x13: {  	_ =	swait.ge [sflag:s11], $0x100  }
0x14: {  	[sflag:s11] =	ssyncset.done $0x0  }
0x15: {  	[sflag:s11] =	ssyncadd.s32 $0xFFFFFF00  }
0x16: {  	[tilespmem:s13], [sflag:$0x2] =	stream.linear.gather [hbm4b:s8+s4], $0x100, $0x38;
	[tilespmem:$0x1100] =	vst v63  }
0x17: {  	_ =	swait.ge [sflag:s11], $0x100  }
0x18: {  	[sflag:s11] =	ssyncset.done $0x0  }
0x19: {  	[sflag:s11] =	ssyncadd.s32 $0xFFFFFF00  }
0x1a: {  	[spmem:s3] =	stream.indirect.scatter [tilespmem:s13], [sflag:$0x1], $0x1, s4, s14, $0xb8;
	[tilespmem:$0x1100] =	vst v63  }
0x1b: {  	_ =	swait.ge [sflag:s15], $0x80  }
0x1c: {  	[sflag:s15] =	ssyncset.done $0x0  }
0x1d: {  	[sflag:s15] =	ssyncadd.s32 $0xFFFFFF80  }
0x1e: {  	[spmem:s3] =	stream.indirect.scatter [tilespmem:s16], [sflag:$0x1], $0x1, s14, s14, $0xb8;
	[tilespmem:$0x1100] =	vst v63  }
0x1f: {  	_ =	swait.ge [sflag:s15], $0x80  }
0x20: {  	[sflag:s15] =	ssyncset.done $0x0  }
0x21: {  	[sflag:s15] =	ssyncadd.s32 $0xFFFFFF80  }
0x22: {  	[bflag:$0x0] =	sbarrier.arrive $0xFFFF  }
0x23: {  	[tilespmem:s17], [sflag:$0x1] =	stream.indirect.gather [spmem:s3], $0x1, s4, s14, $0xb8;
	[tilespmem:$0x1100] =	vst v63  }
0x24: {  	_ =	swait.ge [sflag:s15], $0x80  }
0x25: {  	[sflag:s15] =	ssyncset.done $0x0  }
0x26: {  	[sflag:s15] =	ssyncadd.s32 $0xFFFFFF80  }
0x27: {  	[tilespmem:s18], [sflag:$0x1] =	stream.indirect.gather [hbm4b:s5+s14], $0x1, s12, s14, $0xb8;
	[tilespmem:$0x1100] =	vst v63  }
0x28: {  	_ =	swait.ge [sflag:s15], $0x80  }
0x29: {  	[sflag:s15] =	ssyncset.done $0x0  }
0x2a: {  	[sflag:s15] =	ssyncadd.s32 $0xFFFFFF80  }
0x2b: {  	[tilespmem:s19], [sflag:$0x1] =	stream.indirect.gather [hbm4b:s2+s14], $0x1, s12, s14, $0xb8;
	[tilespmem:$0x1100] =	vst v63  }
0x2c: {  	_ =	swait.ge [sflag:s15], $0x80  }
0x2d: {  	[sflag:s15] =	ssyncset.done $0x0  }
0x2e: {  	[sflag:s15] =	ssyncadd.s32 $0xFFFFFF80  }
0x2f: {  	[tilespmem:s20], [sflag:$0x1] =	stream.indirect.gather [spmem:s3], $0x1, s14, s14, $0xb8;
	[tilespmem:$0x1100] =	vst v63  }
0x30: {  	_ =	swait.ge [sflag:s15], $0x80  }
0x31: {  	[sflag:s15] =	ssyncset.done $0x0  }
0x32: {  	[sflag:s15] =	ssyncadd.s32 $0xFFFFFF80  }
0x33: {  	[tilespmem:s22], [sflag:$0x1] =	stream.indirect.gather [hbm4b:s5+s14], $0x1, s21, s14, $0xb8;
	[tilespmem:$0x1100] =	vst v63  }
0x34: {  	_ =	swait.ge [sflag:s15], $0x80  }
0x35: {  	[sflag:s15] =	ssyncset.done $0x0  }
0x36: {  	[sflag:s15] =	ssyncadd.s32 $0xFFFFFF80  }
0x37: {  	[tilespmem:s23], [sflag:$0x1] =	stream.indirect.gather [hbm4b:s2+s14], $0x1, s21, s14, $0xb8;
	[tilespmem:$0x1100] =	vst v63  }
0x38: {  	_ =	swait.ge [sflag:s15], $0x80  }
0x39: {  	[sflag:s15] =	ssyncset.done $0x0  }
0x3a: {  	[sflag:s15] =	ssyncadd.s32 $0xFFFFFF80  }
0x3b: {  	v0 =	vld [tilespmem:$0x300]  }
0x3c: {  	v1 =	vld [tilespmem:$0x200]  }
0x3d: {  	v2 =	vld [tilespmem:$0x400]  }
0x3e: {  	v3 =	vld [tilespmem:$0x500]  }
0x3f: {  	v4 =	vld [tilespmem:$0x310]  }
0x40: {  	v5 =	vld [tilespmem:$0x210]  }
0x41: {  	v6 =	vld [tilespmem:$0x410]  }
0x42: {  	v7 =	vld [tilespmem:$0x510]  }
0x43: {  	v8 =	vld [tilespmem:$0x320]  }
0x44: {  	v9 =	vld [tilespmem:$0x220]  }
0x45: {  	v10 =	vld [tilespmem:$0x420]  }
0x46: {  	v11 =	vld [tilespmem:$0x520]  }
0x47: {  	v12 =	vld [tilespmem:$0x330]  }
0x48: {  	v13 =	vld [tilespmem:$0x230]  }
0x49: {  	v14 =	vld [tilespmem:$0x430]  }
0x4a: {  	v15 =	vld [tilespmem:$0x530]  }
0x4b: {  	v16 =	vld [tilespmem:$0x340]  }
0x4c: {  	v17 =	vld [tilespmem:$0x240]  }
0x4d: {  	v18 =	vld [tilespmem:$0x440]  }
0x4e: {  	v19 =	vld [tilespmem:$0x540]  }
0x4f: {  	v20 =	vld [tilespmem:$0x350]  }
0x50: {  	v21 =	vld [tilespmem:$0x250]  }
0x51: {  	v22 =	vld [tilespmem:$0x450]  }
0x52: {  	v23 =	vld [tilespmem:$0x550]  }
0x53: {  	v24 =	vld [tilespmem:$0x360]  }
0x54: {  	v25 =	vld [tilespmem:$0x260]  }
0x55: {  	v26 =	vld [tilespmem:$0x460]  }
0x56: {  	v27 =	vld [tilespmem:$0x560]  }
0x57: {  	v28 =	vld [tilespmem:$0x370]  }
0x58: {  	v29 =	vld [tilespmem:$0x270]  }
0x59: {  	v30 =	vld [tilespmem:$0x470]  }
0x5a: {  	v31 =	vld [tilespmem:$0x570]  }
0x5b: {  	v32 =	vld [tilespmem:$0x380]  }
0x5c: {  	v33 =	vld [tilespmem:$0x280]  }
0x5d: {  	v34 =	vld [tilespmem:$0x480]  }
0x5e: {  	v35 =	vld [tilespmem:$0x580]  }
0x5f: {  	v36 =	vld [tilespmem:$0x390]  }
0x60: {  	v37 =	vld [tilespmem:$0x290];
	v2 =	vadd.f32 $0.0e+00, v2  }
0x61: {  	v47 =	vld [tilespmem:$0x490];
	v3 =	vadd.f32 $0.0e+00, v3;
	vm0 =	veq.s32 v0, v1;
	vm1 =	veq.s32 v4, v5  }
0x62: {  	v50 =	vld [tilespmem:$0x590];
	vm14 =	veq.s32 v8, v9;
	v49 =	vnsel vm1, $0x0, v6;
	v1 =	vnsel vm0, $0x0, v2  }
0x63: {  	v51 =	vld [tilespmem:$0x3A0];
	v5 =	vnsel vm1, $0x0, v7;
	v48 =	vnsel vm0, $0x0, v3;
	v1 =	vadd.f32 v49, v1  }
0x64: {  	v53 =	vld [tilespmem:$0x2A0];
	v52 =	vnsel vm14, $0x0, v10;
	v2 =	vadd.f32 v5, v48  }
0x65: {  	v55 =	vld [tilespmem:$0x4A0];
	vm15 =	veq.s32 v12, v13;
	v54 =	vnsel vm14, $0x0, v11;
	v1 =	vadd.f32 v52, v1  }
0x66: {  	v57 =	vld [tilespmem:$0x5A0];
	v56 =	vnsel vm15, $0x0, v14;
	v2 =	vadd.f32 v54, v2  }
0x67: {  	v59 =	vld [tilespmem:$0x3B0];
	vm4 =	veq.s32 v16, v17;
	v58 =	vnsel vm15, $0x0, v15;
	v1 =	vadd.f32 v56, v1  }
0x68: {  	v61 =	vld [tilespmem:$0x2B0];
	v60 =	vnsel vm4, $0x0, v18;
	v2 =	vadd.f32 v58, v2  }
0x69: {  	v63 =	vld [tilespmem:$0x4B0];
	vm5 =	veq.s32 v20, v21;
	v62 =	vnsel vm4, $0x0, v19;
	v1 =	vadd.f32 v60, v1  }
0x6a: {  	v39 =	vld [tilespmem:$0x3D0];
	v21 =	vnsel vm5, $0x0, v22;
	v2 =	vadd.f32 v62, v2  }
0x6b: {  	v41 =	vld [tilespmem:$0x2D0];
	vm6 =	veq.s32 v24, v25;
	v23 =	vnsel vm5, $0x0, v23;
	v1 =	vadd.f32 v21, v1  }
0x6c: {  	v43 =	vld [tilespmem:$0x4D0];
	v25 =	vnsel vm6, $0x0, v26;
	v2 =	vadd.f32 v23, v2  }
0x6d: {  	v44 =	vld [tilespmem:$0x5D0];
	vm7 =	veq.s32 v28, v29;
	v27 =	vnsel vm6, $0x0, v27;
	v1 =	vadd.f32 v25, v1  }
0x6e: {  	v45 =	vld [tilespmem:$0x3E0];
	v29 =	vnsel vm7, $0x0, v30;
	v2 =	vadd.f32 v27, v2  }
0x6f: {  	v46 =	vld [tilespmem:$0x2E0];
	vm8 =	veq.s32 v32, v33;
	v38 =	vnsel vm7, $0x0, v31;
	v1 =	vadd.f32 v29, v1  }
0x70: {  	v24 =	vld [tilespmem:$0x3C0];
	v40 =	vnsel vm8, $0x0, v34;
	v2 =	vadd.f32 v38, v2  }
0x71: {  	vm9 =	veq.s32 v36, v37;
	v22 =	vld [tilespmem:$0x5B0];
	v42 =	vnsel vm8, $0x0, v35;
	v1 =	vadd.f32 v40, v1  }
0x72: {  	v26 =	vld [tilespmem:$0x2C0];
	v0 =	vnsel vm9, $0x0, v47;
	v2 =	vadd.f32 v42, v2  }
0x73: {  	v28 =	vld [tilespmem:$0x4C0];
	vm10 =	veq.s32 v51, v53;
	v4 =	vnsel vm9, $0x0, v50;
	v0 =	vadd.f32 v0, v1  }
0x74: {  	v30 =	vld [tilespmem:$0x5C0];
	v3 =	vnsel vm10, $0x0, v55;
	v2 =	vadd.f32 v4, v2  }
0x75: {  	vm11 =	veq.s32 v59, v61;
	v51 =	vld [tilespmem:$0x3F0];
	v47 =	vnsel vm10, $0x0, v57;
	v0 =	vadd.f32 v3, v0  }
0x76: {  	v53 =	vld [tilespmem:$0x2F0];
	v49 =	vnsel vm11, $0x0, v63;
	v2 =	vadd.f32 v47, v2  }
0x77: {  	v48 =	vld [tilespmem:$0x4E0];
	v7 =	vnsel vm11, $0x0, v22;
	vm12 =	veq.s32 v24, v26;
	v0 =	vadd.f32 v49, v0  }
0x78: {  	v50 =	vld [tilespmem:$0x5E0];
	v52 =	vnsel vm12, $0x0, v28;
	v2 =	vadd.f32 v7, v2  }
0x79: {  	vm13 =	veq.s32 v39, v41;
	v55 =	vld [tilespmem:$0x4F0];
	v54 =	vnsel vm12, $0x0, v30;
	v0 =	vadd.f32 v52, v0  }
0x7a: {  	v57 =	vld [tilespmem:$0x5F0];
	v56 =	vnsel vm13, $0x0, v43;
	v2 =	vadd.f32 v54, v2  }
0x7b: {  	vm14 =	veq.s32 v45, v46;
	v58 =	vnsel vm13, $0x0, v44;
	v0 =	vadd.f32 v56, v0  }
0x7c: {  	v60 =	vnsel vm14, $0x0, v48;
	v59 =	vadd.f32 v58, v2  }
0x7d: {  	vm15 =	veq.s32 v51, v53;
	v61 =	vnsel vm14, $0x0, v50;
	v0 =	vadd.f32 v60, v0  }
0x7e: {  	v62 =	vnsel vm15, $0x0, v55;
	v1 =	vadd.f32 v61, v59  }
0x7f: {  	v63 =	vnsel vm15, $0x0, v57;
	v0 =	vadd.f32 v62, v0  }
0x80: {  	v1 =	vadd.f32 v63, v1  }
0x81: {  	p0 =	sne.s32 s10, $0x1;
	[tilespmem:$0x600] =	vst v0  }
.Ltmp0:
0x82: {  	[tilespmem:$0x680] =	vst v1;
	(pc) =	sbr.rel @p0 .LBB2_1-.Ltmp0, $4  }
0x83: {  	[hbm4b:s9+s4] =	stream.linear.scatter [tilespmem:s24], [sflag:$0x2], $0x100, $0x38;
	[tilespmem:$0x1100] =	vst v63  }
0x84: {  	_ =	swait.ge [sflag:s11], $0x100  }
0x85: {  	[sflag:s11] =	ssyncset.done $0x0  }
0x86: {  	s10 =	sadd.s32 $0xFFFFFFFF, s10;
	[sflag:s11] =	ssyncadd.s32 $0xFFFFFF00  }
0x87: {  	_ =	sfence.sel $0x180000  }
0x88: {  	[bflag:$0x0] =	sbarrier.arrive $0xFFFF  }
0x89: {  	p0 =	sne.s32 s1, $0x0;
	_ =	strace $0x90000047  }
0x8a: {  	s0 =	sadd.s32 @!p0 $0x100000, s0;
	[bflag:$0x2] =	sbarrier.arrive $0xFFFF  }
0x8b: {  	[sflag:s0] =	ssyncadd.tile.s32 @!p0 $0x1;
	_ =	shalt  }
.Lfunc_end2:
_tile_overlayer_lowered:
.L_overlay_start_2:
0x8c: {  	(tag) =	ssettag $0x2  }
0x8d: {  	s0 =	rddreg [dreg:$0x0];
	s2 =	stileid.u32  }
0x8e: {  	s1 =	rddreg [dreg:$0x1];
	p0 =	sne.s32 s2, $0x0  }
0x8f: {  	s3 =	rddreg [dreg:$0x2];
	[bflag:$0x3] =	sbarrier.arrive $0xFFFF;
	s2 =	simm.s32 @!p0 $0x1C02  }
0x90: {  	[timem:s3], [sflag:s2] =	dma.local @!p0 [hbm:s0], s1  }
0x91: {  	s0 =	simm.s32 @!p0 $0x2  }
0x92: {  	_ =	swait.ge @!p0 [sflag:s0], s1  }
0x93: {  	s1 =	ssub.s32 @!p0 $0x0, s1;
	[sflag:s0] =	ssyncset.done @!p0 $0x0  }
0x94: {  	[sflag:s0] =	ssyncadd.s32 @!p0 s1  }
0x95: {  	[bflag:$0x3] =	sbarrier.arrive $0xFFFF  }
0x96: {  	_ =	shalt  }

</sc_bundles>
